<compile_context>
chip_gen: v7x
topology: tpu7x:2x2x1
jax: 0.10.2.dev20260603
libtpu: 0.0.44.dev20260713+nightly
codegen_flags: <defaults>
</compile_context>

<pallas_src>
import functools

import jax
import jax.numpy as jnp
from jax import lax
from jax.experimental import pallas as pl
from jax.experimental.pallas import tpu as pltpu
from jax.experimental.pallas import tpu_sc as plsc

N = 10000
E = 320000
D = 128
OUT = 128

NC = 2
NS = 16
FH = D // NC
EPT = E // NS
B = 80
NB = EPT // B
ROWS_PT = N // NS
CHUNK = 125
NCHUNK = ROWS_PT // CHUNK
CW = 16
NH = N // NC
CROWS = NH + 72
CPT = CROWS // NS


def _agg_kernel(h2_hbm, src_hbm, dst_hbm, w_hbm, sums_hbm, cnt_hbm,
                src_t, dst_t, w_t, cidx_t, rows0, rows1, frows, ones,
                zbuf, zc, sem0a, sem0b, sem1a, sem1b, sums_sh, cnt_sh):
    cid = lax.axis_index("c")
    sid = lax.axis_index("s")

    pltpu.sync_copy(src_hbm.at[cid, sid], src_t)
    pltpu.sync_copy(dst_hbm.at[sid], dst_t)
    pltpu.sync_copy(w_hbm.at[sid], w_t)

    zeros16 = jnp.zeros((16,), jnp.float32)
    ones16 = jnp.ones((16,), jnp.float32)

    def zb_body(i, _):
        for f in range(FH // 16):
            zbuf[i, pl.ds(f * 16, 16)] = zeros16
        return 0
    lax.fori_loop(0, CHUNK, zb_body, 0)

    def zc_body(i, _):
        zc[i, pl.ds(0, CW)] = zeros16
        return 0
    lax.fori_loop(0, CPT, zc_body, 0)

    def on_body(i, _):
        ones[i, pl.ds(0, CW)] = ones16
        return 0
    lax.fori_loop(0, B, on_body, 0)

    for cnk in range(NCHUNK):
        start = sid * ROWS_PT + cnk * CHUNK
        pltpu.sync_copy(zbuf, sums_sh.at[pl.ds(start, CHUNK)])
    pltpu.sync_copy(zc, cnt_sh.at[pl.ds(sid * CPT, CPT)])
    plsc.subcore_barrier()

    cbase = cid * NH

    HB = B // 2

    pltpu.async_copy(h2_hbm.at[src_t.at[0, pl.ds(0, HB)]],
                     rows0.at[pl.ds(0, HB)], sem0a)
    pltpu.async_copy(h2_hbm.at[src_t.at[0, pl.ds(HB, HB)]],
                     rows0.at[pl.ds(HB, HB)], sem0b)

    def outer_body(jj, _):
        for bsel in range(2):
            j = jj * 2 + bsel
            if bsel == 0:
                rows_cur, sem_cura, sem_curb = rows0, sem0a, sem0b
                rows_nxt, sem_nxta, sem_nxtb = rows1, sem1a, sem1b
            else:
                rows_cur, sem_cura, sem_curb = rows1, sem1a, sem1b
                rows_nxt, sem_nxta, sem_nxtb = rows0, sem0a, sem0b

            @pl.when(j + 1 < NB)
            def _():
                pltpu.async_copy(
                    h2_hbm.at[src_t.at[j + 1, pl.ds(0, HB)]],
                    rows_nxt.at[pl.ds(0, HB)], sem_nxta)
                pltpu.async_copy(
                    h2_hbm.at[src_t.at[j + 1, pl.ds(HB, HB)]],
                    rows_nxt.at[pl.ds(HB, HB)], sem_nxtb)

            def remap_body(g, _):
                idxg = dst_t[j, pl.ds(g * 16, 16)]
                rem = idxg - cbase
                valid = (rem >= 0) & (rem < NH)
                trash = NH + lax.bitwise_and(idxg, jnp.int32(63))
                cidx_t[pl.ds(g * 16, 16)] = jnp.where(valid, rem, trash)
                return 0
            lax.fori_loop(0, B // 16, remap_body, 0)

            pltpu.sync_copy(ones, cnt_sh.at[cidx_t], add=True)

            pltpu.make_async_copy(
                h2_hbm.at[src_t.at[j, pl.ds(0, HB)]],
                rows_cur.at[pl.ds(0, HB)], sem_cura).wait()
            pltpu.make_async_copy(
                h2_hbm.at[src_t.at[j, pl.ds(HB, HB)]],
                rows_cur.at[pl.ds(HB, HB)], sem_curb).wait()

            jbase = j * B

            def _unused(g):
                wg = w_t[pl.ds(jbase + g * 16, 16)]
                for i in range(16):
                    wbc = wg.at[jnp.full((16,), i, jnp.int32)].get(
                        mode='promise_in_bounds')
                    e = g * 16 + i
                    for c in range(2):
                        v = rows_cur[e, pl.ds(c * 16, 16)]
                        f_even = plsc.bitcast(
                            lax.shift_left(v, 16), jnp.float32)
                        f_odd = plsc.bitcast(
                            lax.bitwise_and(v, jnp.int32(-65536)),
                            jnp.float32)
                        frows[e, pl.ds(c * 32, 16)] = f_even * wbc
                        frows[e, pl.ds(c * 32 + 16, 16)] = f_odd * wbc

            pltpu.sync_copy(frows, sums_sh.at[dst_t.at[j]], add=True)
        return 0
    lax.fori_loop(0, NB // 2, outer_body, 0)

    plsc.subcore_barrier()

    for cnk in range(NCHUNK):
        start = sid * ROWS_PT + cnk * CHUNK
        pltpu.sync_copy(sums_sh.at[pl.ds(start, CHUNK)], zbuf)
        pltpu.sync_copy(zbuf, sums_hbm.at[cid, pl.ds(start, CHUNK)])
    pltpu.sync_copy(cnt_sh.at[pl.ds(sid * CPT, CPT)], zc)
    pltpu.sync_copy(zc, cnt_hbm.at[cid, pl.ds(sid * CPT, CPT)])


_agg = functools.partial(
    pl.kernel,
    out_type=[
        jax.ShapeDtypeStruct((NC, N, FH), jnp.float32),
        jax.ShapeDtypeStruct((NC, CROWS, CW), jnp.float32),
    ],
    mesh=plsc.VectorSubcoreMesh(core_axis_name="c", subcore_axis_name="s"),
    compiler_params=pltpu.CompilerParams(use_tc_tiling_on_sc=False,
                                        needs_layout_passes=False),
    scratch_types=[
        pltpu.VMEM((NB, B), jnp.int32),
        pltpu.VMEM((NB, B), jnp.int32),
        pltpu.VMEM((EPT,), jnp.float32),
        pltpu.VMEM((B,), jnp.int32),
        pltpu.VMEM((B, FH // 2), jnp.int32),
        pltpu.VMEM((B, FH // 2), jnp.int32),
        pltpu.VMEM((B, FH), jnp.float32),
        pltpu.VMEM((B, CW), jnp.float32),
        pltpu.VMEM((CHUNK, FH), jnp.float32),
        pltpu.VMEM((CPT, CW), jnp.float32),
        pltpu.SemaphoreType.DMA,
        pltpu.SemaphoreType.DMA,
        pltpu.SemaphoreType.DMA,
        pltpu.SemaphoreType.DMA,
        pltpu.VMEM_SHARED((N, FH), jnp.float32),
        pltpu.VMEM_SHARED((CROWS, CW), jnp.float32),
    ],
)(_agg_kernel)


ROWB = 1000


def _combine_kernel(h_ref, sums_ref, cnt_ref, w_ref, b_ref, out_ref):
    h_n = jnp.concatenate([sums_ref[0], sums_ref[1]], axis=1)
    c = cnt_ref[0][:, :1]
    h_n = h_n / jnp.maximum(c, 1.0)
    acc = jnp.dot(h_ref[...], w_ref[pl.ds(0, D), :],
                  preferred_element_type=jnp.float32)
    acc += jnp.dot(h_n, w_ref[pl.ds(D, D), :],
                   preferred_element_type=jnp.float32)
    out_ref[...] = acc + b_ref[...]


def _combine(h, sums2, cnt2, w_mat, b_row):
    grid = (N // ROWB,)
    nhb = NH // ROWB
    return pl.pallas_call(
        _combine_kernel,
        grid=grid,
        in_specs=[
            pl.BlockSpec((ROWB, D), lambda i: (i, 0)),
            pl.BlockSpec((NC, ROWB, FH), lambda i: (0, i, 0)),
            pl.BlockSpec((1, ROWB, CW), lambda i: (i // nhb, i % nhb, 0)),
            pl.BlockSpec((2 * D, OUT), lambda i: (0, 0)),
            pl.BlockSpec((1, OUT), lambda i: (0, 0)),
        ],
        out_specs=pl.BlockSpec((ROWB, OUT), lambda i: (i, 0)),
        out_shape=jax.ShapeDtypeStruct((N, OUT), jnp.float32),
    )(h, sums2, cnt2, w_mat, b_row)


_PERM = [c * 32 + 2 * k + p for c in range(2) for p in range(2)
         for k in range(16)]
_PERM_FULL = _PERM + [64 + x for x in _PERM]


def kernel(h, edge_index, w, W, b):
    h2i = lax.bitcast_convert_type(
        h.astype(jnp.bfloat16).reshape(2 * N, FH // 2, 2), jnp.int32)
    s2 = edge_index[0].reshape(NS, NB, B) * 2
    src2 = jnp.stack([s2, s2 + 1])
    dst2 = edge_index[1].reshape(NS, NB, B)
    w2 = w.reshape(NS, EPT)
    sums2, cnt2 = _agg(h2i, src2, dst2, w2)
    w_perm = jnp.concatenate(
        [W[:D], W[D:][jnp.array(_PERM_FULL)]], axis=0)
    return _combine(h, sums2, cnt2, w_perm, b.reshape(1, OUT))

# --- scband reference (transcript-rebuilt; emitter-appended) ---
"""Pipeline reference for scband-custom-weighted-graph-sage-72232759984605 (READ-ONLY COPY).

The authoritative reference and input builder live on the scoring server;
editing this copy changes nothing except your own understanding.
"""

import jax, jax.numpy as jnp
import numpy as np

N = 10000
E = 320000
D = 128
OUT = 128


def setup_inputs(seed: int = 0) -> dict:
    key = jax.random.key(seed)
    k1, k2, k3, k4, k5 = jax.random.split(key, 5)
    h = jax.random.normal(k1, (N, D), dtype=jnp.float32)
    edge_index = jax.random.randint(k2, (2, E), 0, N, dtype=jnp.int32)
    w = jax.random.uniform(k3, (E, 1), dtype=jnp.float32)
    # Linear(in=2*D, out=OUT): store weight as [2*D, OUT] for x @ W + b
    W = jax.random.normal(k4, (2 * D, OUT), dtype=jnp.float32) * (1.0 / np.sqrt(2 * D))
    b = jax.random.normal(k5, (OUT,), dtype=jnp.float32) * (1.0 / np.sqrt(2 * D))
    return {"h": h, "edge_index": edge_index, "w": w, "W": W, "b": b}


def reference(h, edge_index, w, W, b):
    src = edge_index[0]
    dst = edge_index[1]
    # message: u_mul_e -> h[src] * w (edge scalar broadcast over feature dim)
    m = jnp.take(h, src, axis=0) * w  # [E, D]
    # reduce: mean over incoming edges per destination node
    sums = jax.ops.segment_sum(m, dst, num_segments=N)  # [N, D]
    cnt = jax.ops.segment_sum(jnp.ones((E, 1), dtype=h.dtype), dst, num_segments=N)  # [N, 1]
    h_N = sums / jnp.maximum(cnt, 1.0)  # nodes with no in-edges get 0
    h_total = jnp.concatenate([h, h_N], axis=1)  # [N, 2*D]
    return h_total @ W + b

if __name__ == "__main__":
    import jax
    _d = setup_inputs()
    print(jax.jit(kernel)(*tuple(_d.values())))

</pallas_src>

<mosaic_0001>
#map = affine_map<(d0, d1) -> (0, 0)>
#map1 = affine_map<(d0, d1) -> (0, 0, 0, 0)>
#map2 = affine_map<(d0, d1) -> (0, 0, 0)>
module attributes {stable_mosaic.version = 14 : i64} {
  func.func @_agg_kernel(%arg0: i32, %arg1: i32, %arg2: memref<20000x32xi32, #tpu.memory_space<hbm>>, %arg3: memref<2x16x250x80xi32, #tpu.memory_space<hbm>>, %arg4: memref<16x250x80xi32, #tpu.memory_space<hbm>>, %arg5: memref<16x20000xf32, #tpu.memory_space<hbm>>, %arg6: memref<2x10000x64xf32, #tpu.memory_space<hbm>>, %arg7: memref<2x5072x16xf32, #tpu.memory_space<hbm>>, %arg8: memref<250x80xi32, #tpu.memory_space<vmem>>, %arg9: memref<250x80xi32, #tpu.memory_space<vmem>>, %arg10: memref<20000xf32, #tpu.memory_space<vmem>>, %arg11: memref<80xi32, #tpu.memory_space<vmem>>, %arg12: memref<80x32xi32, #tpu.memory_space<vmem>>, %arg13: memref<80x32xi32, #tpu.memory_space<vmem>>, %arg14: memref<80x64xf32, #tpu.memory_space<vmem>>, %arg15: memref<80x16xf32, #tpu.memory_space<vmem>>, %arg16: memref<125x64xf32, #tpu.memory_space<vmem>>, %arg17: memref<317x16xf32, #tpu.memory_space<vmem>>, %arg18: memref<!tpu.dma_semaphore, #tpu.memory_space<semaphore_mem>>, %arg19: memref<!tpu.dma_semaphore, #tpu.memory_space<semaphore_mem>>, %arg20: memref<!tpu.dma_semaphore, #tpu.memory_space<semaphore_mem>>, %arg21: memref<!tpu.dma_semaphore, #tpu.memory_space<semaphore_mem>>, %arg22: memref<10000x64xf32, #tpu.memory_space<vmem_shared>>, %arg23: memref<5072x16xf32, #tpu.memory_space<vmem_shared>>) attributes {dimension_semantics = [#tpu.dimension_semantics<core_parallel>, #tpu.dimension_semantics<subcore_parallel>], iteration_bounds = array<i64: 2, 16>, scalar_prefetch = 0 : i64, scratch_operands = 16 : i64, tpu.core_type = #tpu.core_type<sc_vector_subcore>, window_params = [{transform_indices = #map}, {transform_indices = #map1}, {transform_indices = #map2}, {transform_indices = #map}, {transform_indices = #map2}, {transform_indices = #map2}]} {
    "tpu.region"() ({
      %run_scoped3A = tpu.sem_alloc : memref<!tpu.dma_semaphore, #tpu.memory_space<semaphore_mem>>
      %dma_start3A_96 = arith.constant 0 : i32
      %dma_start3A_97 = arith.constant 0 : i32
      %dma_start3A_98 = tpu.memref_slice %arg3[%arg0, %arg1, %dma_start3A_96, %dma_start3A_97] : memref<2x16x250x80xi32, #tpu.memory_space<hbm>> -> memref<1x1x250x80xi32, #tpu.memory_space<hbm>>
      %dma_start3A_99 = tpu.memref_squeeze %dma_start3A_98 : memref<1x1x250x80xi32, #tpu.memory_space<hbm>> -> memref<250x80xi32, #tpu.memory_space<hbm>>
      %dma_start3A_100 = arith.constant 0 : i32
      %dma_start3A_101 = arith.constant 0 : i32
      %dma_start3A_102 = tpu.memref_slice %arg3[%arg0, %arg1, %dma_start3A_100, %dma_start3A_101] : memref<2x16x250x80xi32, #tpu.memory_space<hbm>> -> memref<1x1x250x80xi32, #tpu.memory_space<hbm>>
      %dma_start3A_103 = tpu.memref_squeeze %dma_start3A_102 : memref<1x1x250x80xi32, #tpu.memory_space<hbm>> -> memref<250x80xi32, #tpu.memory_space<hbm>>
      tpu.enqueue_dma source(%dma_start3A_103 : memref<250x80xi32, #tpu.memory_space<hbm>>) target(%arg8 : memref<250x80xi32, #tpu.memory_space<vmem>>) target_semaphore(%run_scoped3A : memref<!tpu.dma_semaphore, #tpu.memory_space<semaphore_mem>>)
      %dma_wait3A = arith.constant 0 : i32
      %dma_wait3A_104 = arith.constant 0 : i32
      %dma_wait3A_105 = tpu.memref_slice %arg3[%arg0, %arg1, %dma_wait3A, %dma_wait3A_104] : memref<2x16x250x80xi32, #tpu.memory_space<hbm>> -> memref<1x1x250x80xi32, #tpu.memory_space<hbm>>
      %dma_wait3A_106 = tpu.memref_squeeze %dma_wait3A_105 : memref<1x1x250x80xi32, #tpu.memory_space<hbm>> -> memref<250x80xi32, #tpu.memory_space<hbm>>
      %dma_wait3A_107 = arith.constant 0 : i32
      %dma_wait3A_108 = arith.constant 0 : i32
      %dma_wait3A_109 = tpu.memref_slice %arg3[%arg0, %arg1, %dma_wait3A_107, %dma_wait3A_108] : memref<2x16x250x80xi32, #tpu.memory_space<hbm>> -> memref<1x1x250x80xi32, #tpu.memory_space<hbm>>
      %dma_wait3A_110 = tpu.memref_squeeze %dma_wait3A_109 : memref<1x1x250x80xi32, #tpu.memory_space<hbm>> -> memref<250x80xi32, #tpu.memory_space<hbm>>
      tpu.wait_dma2 semaphore(%run_scoped3A : memref<!tpu.dma_semaphore, #tpu.memory_space<semaphore_mem>>) src(%dma_wait3A_110 : memref<250x80xi32, #tpu.memory_space<hbm>>) dst(%arg8 : memref<250x80xi32, #tpu.memory_space<vmem>>)
      tpu.yield
    }) : () -> ()
    "tpu.region"() ({
      %run_scoped3A = tpu.sem_alloc : memref<!tpu.dma_semaphore, #tpu.memory_space<semaphore_mem>>
      %dma_start3A_96 = arith.constant 0 : i32
      %dma_start3A_97 = arith.constant 0 : i32
      %dma_start3A_98 = tpu.memref_slice %arg4[%arg1, %dma_start3A_96, %dma_start3A_97] : memref<16x250x80xi32, #tpu.memory_space<hbm>> -> memref<1x250x80xi32, #tpu.memory_space<hbm>>
      %dma_start3A_99 = tpu.memref_squeeze %dma_start3A_98 : memref<1x250x80xi32, #tpu.memory_space<hbm>> -> memref<250x80xi32, #tpu.memory_space<hbm>>
      %dma_start3A_100 = arith.constant 0 : i32
      %dma_start3A_101 = arith.constant 0 : i32
      %dma_start3A_102 = tpu.memref_slice %arg4[%arg1, %dma_start3A_100, %dma_start3A_101] : memref<16x250x80xi32, #tpu.memory_space<hbm>> -> memref<1x250x80xi32, #tpu.memory_space<hbm>>
      %dma_start3A_103 = tpu.memref_squeeze %dma_start3A_102 : memref<1x250x80xi32, #tpu.memory_space<hbm>> -> memref<250x80xi32, #tpu.memory_space<hbm>>
      tpu.enqueue_dma source(%dma_start3A_103 : memref<250x80xi32, #tpu.memory_space<hbm>>) target(%arg9 : memref<250x80xi32, #tpu.memory_space<vmem>>) target_semaphore(%run_scoped3A : memref<!tpu.dma_semaphore, #tpu.memory_space<semaphore_mem>>)
      %dma_wait3A = arith.constant 0 : i32
      %dma_wait3A_104 = arith.constant 0 : i32
      %dma_wait3A_105 = tpu.memref_slice %arg4[%arg1, %dma_wait3A, %dma_wait3A_104] : memref<16x250x80xi32, #tpu.memory_space<hbm>> -> memref<1x250x80xi32, #tpu.memory_space<hbm>>
      %dma_wait3A_106 = tpu.memref_squeeze %dma_wait3A_105 : memref<1x250x80xi32, #tpu.memory_space<hbm>> -> memref<250x80xi32, #tpu.memory_space<hbm>>
      %dma_wait3A_107 = arith.constant 0 : i32
      %dma_wait3A_108 = arith.constant 0 : i32
      %dma_wait3A_109 = tpu.memref_slice %arg4[%arg1, %dma_wait3A_107, %dma_wait3A_108] : memref<16x250x80xi32, #tpu.memory_space<hbm>> -> memref<1x250x80xi32, #tpu.memory_space<hbm>>
      %dma_wait3A_110 = tpu.memref_squeeze %dma_wait3A_109 : memref<1x250x80xi32, #tpu.memory_space<hbm>> -> memref<250x80xi32, #tpu.memory_space<hbm>>
      tpu.wait_dma2 semaphore(%run_scoped3A : memref<!tpu.dma_semaphore, #tpu.memory_space<semaphore_mem>>) src(%dma_wait3A_110 : memref<250x80xi32, #tpu.memory_space<hbm>>) dst(%arg9 : memref<250x80xi32, #tpu.memory_space<vmem>>)
      tpu.yield
    }) : () -> ()
    "tpu.region"() ({
      %run_scoped3A = tpu.sem_alloc : memref<!tpu.dma_semaphore, #tpu.memory_space<semaphore_mem>>
      %dma_start3A_96 = arith.constant 0 : i32
      %dma_start3A_97 = tpu.memref_slice %arg5[%arg1, %dma_start3A_96] : memref<16x20000xf32, #tpu.memory_space<hbm>> -> memref<1x20000xf32, #tpu.memory_space<hbm>>
      %dma_start3A_98 = tpu.memref_squeeze %dma_start3A_97 : memref<1x20000xf32, #tpu.memory_space<hbm>> -> memref<20000xf32, #tpu.memory_space<hbm>>
      %dma_start3A_99 = arith.constant 0 : i32
      %dma_start3A_100 = tpu.memref_slice %arg5[%arg1, %dma_start3A_99] : memref<16x20000xf32, #tpu.memory_space<hbm>> -> memref<1x20000xf32, #tpu.memory_space<hbm>>
      %dma_start3A_101 = tpu.memref_squeeze %dma_start3A_100 : memref<1x20000xf32, #tpu.memory_space<hbm>> -> memref<20000xf32, #tpu.memory_space<hbm>>
      tpu.enqueue_dma source(%dma_start3A_101 : memref<20000xf32, #tpu.memory_space<hbm>>) target(%arg10 : memref<20000xf32, #tpu.memory_space<vmem>>) target_semaphore(%run_scoped3A : memref<!tpu.dma_semaphore, #tpu.memory_space<semaphore_mem>>)
      %dma_wait3A = arith.constant 0 : i32
      %dma_wait3A_102 = tpu.memref_slice %arg5[%arg1, %dma_wait3A] : memref<16x20000xf32, #tpu.memory_space<hbm>> -> memref<1x20000xf32, #tpu.memory_space<hbm>>
      %dma_wait3A_103 = tpu.memref_squeeze %dma_wait3A_102 : memref<1x20000xf32, #tpu.memory_space<hbm>> -> memref<20000xf32, #tpu.memory_space<hbm>>
      %dma_wait3A_104 = arith.constant 0 : i32
      %dma_wait3A_105 = tpu.memref_slice %arg5[%arg1, %dma_wait3A_104] : memref<16x20000xf32, #tpu.memory_space<hbm>> -> memref<1x20000xf32, #tpu.memory_space<hbm>>
      %dma_wait3A_106 = tpu.memref_squeeze %dma_wait3A_105 : memref<1x20000xf32, #tpu.memory_space<hbm>> -> memref<20000xf32, #tpu.memory_space<hbm>>
      tpu.wait_dma2 semaphore(%run_scoped3A : memref<!tpu.dma_semaphore, #tpu.memory_space<semaphore_mem>>) src(%dma_wait3A_106 : memref<20000xf32, #tpu.memory_space<hbm>>) dst(%arg10 : memref<20000xf32, #tpu.memory_space<vmem>>)
      tpu.yield
    }) : () -> ()
    %broadcast_in_dim3A = arith.constant 0.000000e+00 : f32
    %broadcast_in_dim3A_0 = vector.broadcast %broadcast_in_dim3A : f32 to vector<16xf32>
    %broadcast_in_dim3A_1 = arith.constant 1.000000e+00 : f32
    %broadcast_in_dim3A_2 = vector.broadcast %broadcast_in_dim3A_1 : f32 to vector<16xf32>
    %scan3A = arith.constant 0 : i32
    %scan3A_3 = arith.constant 0 : i32
    %scan3A_4 = arith.constant 125 : i32
    %scan3A_5 = arith.addi %scan3A_3, %scan3A_4 : i32
    %scan3A_6 = arith.constant 1 : i32
    %scan3A_7 = scf.for %scan3A_96 = %scan3A_3 to %scan3A_5 step %scan3A_6 iter_args(%scan3A_97 = %scan3A) -> (i32)  : i32 {
      %swap3A = arith.index_cast %scan3A_96 : i32 to index
      %swap3A_98 = arith.constant 0 : index
      %swap3A_99 = tpu.vector_load %arg16[%swap3A, %swap3A_98] {strides = array<i32>} : memref<125x64xf32, #tpu.memory_space<vmem>>, vector<16xf32>,
      tpu.vector_store %arg16[%swap3A, %swap3A_98], %broadcast_in_dim3A_0 {strides = array<i32>} : memref<125x64xf32, #tpu.memory_space<vmem>>, vector<16xf32>,
      %swap3A_100 = arith.index_cast %scan3A_96 : i32 to index
      %swap3A_101 = arith.constant 16 : index
      %swap3A_102 = tpu.vector_load %arg16[%swap3A_100, %swap3A_101] {strides = array<i32>} : memref<125x64xf32, #tpu.memory_space<vmem>>, vector<16xf32>,
      tpu.vector_store %arg16[%swap3A_100, %swap3A_101], %broadcast_in_dim3A_0 {strides = array<i32>} : memref<125x64xf32, #tpu.memory_space<vmem>>, vector<16xf32>,
      %swap3A_103 = arith.index_cast %scan3A_96 : i32 to index
      %swap3A_104 = arith.constant 32 : index
      %swap3A_105 = tpu.vector_load %arg16[%swap3A_103, %swap3A_104] {strides = array<i32>} : memref<125x64xf32, #tpu.memory_space<vmem>>, vector<16xf32>,
      tpu.vector_store %arg16[%swap3A_103, %swap3A_104], %broadcast_in_dim3A_0 {strides = array<i32>} : memref<125x64xf32, #tpu.memory_space<vmem>>, vector<16xf32>,
      %swap3A_106 = arith.index_cast %scan3A_96 : i32 to index
      %swap3A_107 = arith.constant 48 : index
      %swap3A_108 = tpu.vector_load %arg16[%swap3A_106, %swap3A_107] {strides = array<i32>} : memref<125x64xf32, #tpu.memory_space<vmem>>, vector<16xf32>,
      tpu.vector_store %arg16[%swap3A_106, %swap3A_107], %broadcast_in_dim3A_0 {strides = array<i32>} : memref<125x64xf32, #tpu.memory_space<vmem>>, vector<16xf32>,
      %scan3A_109 = arith.constant 0 : i32
      scf.yield %scan3A_109 : i32
    }
    %scan3A_8 = arith.constant 125 : i32
    %scan3A_9 = arith.constant 0 : i32
    %scan3A_10 = arith.constant 0 : i32
    %scan3A_11 = arith.constant 317 : i32
    %scan3A_12 = arith.addi %scan3A_10, %scan3A_11 : i32
    %scan3A_13 = arith.constant 1 : i32
    %scan3A_14 = scf.for %scan3A_96 = %scan3A_10 to %scan3A_12 step %scan3A_13 iter_args(%scan3A_97 = %scan3A_9) -> (i32)  : i32 {
      %swap3A = arith.index_cast %scan3A_96 : i32 to index
      %swap3A_98 = arith.constant 0 : index
      %swap3A_99 = tpu.vector_load %arg17[%swap3A, %swap3A_98] {strides = array<i32>} : memref<317x16xf32, #tpu.memory_space<vmem>>, vector<16xf32>,
      tpu.vector_store %arg17[%swap3A, %swap3A_98], %broadcast_in_dim3A_0 {strides = array<i32>} : memref<317x16xf32, #tpu.memory_space<vmem>>, vector<16xf32>,
      %scan3A_100 = arith.constant 0 : i32
      scf.yield %scan3A_100 : i32
    }
    %scan3A_15 = arith.constant 317 : i32
    %scan3A_16 = arith.constant 0 : i32
    %scan3A_17 = arith.constant 0 : i32
    %scan3A_18 = arith.constant 80 : i32
    %scan3A_19 = arith.addi %scan3A_17, %scan3A_18 : i32
    %scan3A_20 = arith.constant 1 : i32
    %scan3A_21 = scf.for %scan3A_96 = %scan3A_17 to %scan3A_19 step %scan3A_20 iter_args(%scan3A_97 = %scan3A_16) -> (i32)  : i32 {
      %swap3A = arith.index_cast %scan3A_96 : i32 to index
      %swap3A_98 = arith.constant 0 : index
      %swap3A_99 = tpu.vector_load %arg15[%swap3A, %swap3A_98] {strides = array<i32>} : memref<80x16xf32, #tpu.memory_space<vmem>>, vector<16xf32>,
      tpu.vector_store %arg15[%swap3A, %swap3A_98], %broadcast_in_dim3A_2 {strides = array<i32>} : memref<80x16xf32, #tpu.memory_space<vmem>>, vector<16xf32>,
      %scan3A_100 = arith.constant 0 : i32
      scf.yield %scan3A_100 : i32
    }
    %scan3A_22 = arith.constant 80 : i32
    %mul3A = arith.constant 625 : i32
    %mul3A_23 = arith.muli %arg1, %mul3A : i32
    %add3A = arith.constant 0 : i32
    %add3A_24 = arith.addi %mul3A_23, %add3A : i32
    "tpu.region"() ({
      %run_scoped3A = tpu.sem_alloc : memref<!tpu.dma_semaphore, #tpu.memory_space<semaphore_mem>>
      %dma_start3A_96 = arith.constant 0 : i32
      %dma_start3A_97 = tpu.memref_slice %arg22[%add3A_24, %dma_start3A_96] : memref<10000x64xf32, #tpu.memory_space<vmem_shared>> -> memref<125x64xf32, #tpu.memory_space<vmem_shared>>
      %dma_start3A_98 = arith.constant 0 : i32
      %dma_start3A_99 = tpu.memref_slice %arg22[%add3A_24, %dma_start3A_98] : memref<10000x64xf32, #tpu.memory_space<vmem_shared>> -> memref<125x64xf32, #tpu.memory_space<vmem_shared>>
      tpu.enqueue_dma source(%arg16 : memref<125x64xf32, #tpu.memory_space<vmem>>) target(%dma_start3A_99 : memref<125x64xf32, #tpu.memory_space<vmem_shared>>) target_semaphore(%run_scoped3A : memref<!tpu.dma_semaphore, #tpu.memory_space<semaphore_mem>>)
      %dma_wait3A = arith.constant 0 : i32
      %dma_wait3A_100 = tpu.memref_slice %arg22[%add3A_24, %dma_wait3A] : memref<10000x64xf32, #tpu.memory_space<vmem_shared>> -> memref<125x64xf32, #tpu.memory_space<vmem_shared>>
      %dma_wait3A_101 = arith.constant 0 : i32
      %dma_wait3A_102 = tpu.memref_slice %arg22[%add3A_24, %dma_wait3A_101] : memref<10000x64xf32, #tpu.memory_space<vmem_shared>> -> memref<125x64xf32, #tpu.memory_space<vmem_shared>>
      tpu.wait_dma2 semaphore(%run_scoped3A : memref<!tpu.dma_semaphore, #tpu.memory_space<semaphore_mem>>) src(%arg16 : memref<125x64xf32, #tpu.memory_space<vmem>>) dst(%dma_wait3A_102 : memref<125x64xf32, #tpu.memory_space<vmem_shared>>)
      tpu.yield
    }) : () -> ()
    %mul3A_25 = arith.constant 625 : i32
    %mul3A_26 = arith.muli %arg1, %mul3A_25 : i32
    %add3A_27 = arith.constant 125 : i32
    %add3A_28 = arith.addi %mul3A_26, %add3A_27 : i32
    "tpu.region"() ({
      %run_scoped3A = tpu.sem_alloc : memref<!tpu.dma_semaphore, #tpu.memory_space<semaphore_mem>>
      %dma_start3A_96 = arith.constant 0 : i32
      %dma_start3A_97 = tpu.memref_slice %arg22[%add3A_28, %dma_start3A_96] : memref<10000x64xf32, #tpu.memory_space<vmem_shared>> -> memref<125x64xf32, #tpu.memory_space<vmem_shared>>
      %dma_start3A_98 = arith.constant 0 : i32
      %dma_start3A_99 = tpu.memref_slice %arg22[%add3A_28, %dma_start3A_98] : memref<10000x64xf32, #tpu.memory_space<vmem_shared>> -> memref<125x64xf32, #tpu.memory_space<vmem_shared>>
      tpu.enqueue_dma source(%arg16 : memref<125x64xf32, #tpu.memory_space<vmem>>) target(%dma_start3A_99 : memref<125x64xf32, #tpu.memory_space<vmem_shared>>) target_semaphore(%run_scoped3A : memref<!tpu.dma_semaphore, #tpu.memory_space<semaphore_mem>>)
      %dma_wait3A = arith.constant 0 : i32
      %dma_wait3A_100 = tpu.memref_slice %arg22[%add3A_28, %dma_wait3A] : memref<10000x64xf32, #tpu.memory_space<vmem_shared>> -> memref<125x64xf32, #tpu.memory_space<vmem_shared>>
      %dma_wait3A_101 = arith.constant 0 : i32
      %dma_wait3A_102 = tpu.memref_slice %arg22[%add3A_28, %dma_wait3A_101] : memref<10000x64xf32, #tpu.memory_space<vmem_shared>> -> memref<125x64xf32, #tpu.memory_space<vmem_shared>>
      tpu.wait_dma2 semaphore(%run_scoped3A : memref<!tpu.dma_semaphore, #tpu.memory_space<semaphore_mem>>) src(%arg16 : memref<125x64xf32, #tpu.memory_space<vmem>>) dst(%dma_wait3A_102 : memref<125x64xf32, #tpu.memory_space<vmem_shared>>)
      tpu.yield
    }) : () -> ()
    %mul3A_29 = arith.constant 625 : i32
    %mul3A_30 = arith.muli %arg1, %mul3A_29 : i32
    %add3A_31 = arith.constant 250 : i32
    %add3A_32 = arith.addi %mul3A_30, %add3A_31 : i32
    "tpu.region"() ({
      %run_scoped3A = tpu.sem_alloc : memref<!tpu.dma_semaphore, #tpu.memory_space<semaphore_mem>>
      %dma_start3A_96 = arith.constant 0 : i32
      %dma_start3A_97 = tpu.memref_slice %arg22[%add3A_32, %dma_start3A_96] : memref<10000x64xf32, #tpu.memory_space<vmem_shared>> -> memref<125x64xf32, #tpu.memory_space<vmem_shared>>
      %dma_start3A_98 = arith.constant 0 : i32
      %dma_start3A_99 = tpu.memref_slice %arg22[%add3A_32, %dma_start3A_98] : memref<10000x64xf32, #tpu.memory_space<vmem_shared>> -> memref<125x64xf32, #tpu.memory_space<vmem_shared>>
      tpu.enqueue_dma source(%arg16 : memref<125x64xf32, #tpu.memory_space<vmem>>) target(%dma_start3A_99 : memref<125x64xf32, #tpu.memory_space<vmem_shared>>) target_semaphore(%run_scoped3A : memref<!tpu.dma_semaphore, #tpu.memory_space<semaphore_mem>>)
      %dma_wait3A = arith.constant 0 : i32
      %dma_wait3A_100 = tpu.memref_slice %arg22[%add3A_32, %dma_wait3A] : memref<10000x64xf32, #tpu.memory_space<vmem_shared>> -> memref<125x64xf32, #tpu.memory_space<vmem_shared>>
      %dma_wait3A_101 = arith.constant 0 : i32
      %dma_wait3A_102 = tpu.memref_slice %arg22[%add3A_32, %dma_wait3A_101] : memref<10000x64xf32, #tpu.memory_space<vmem_shared>> -> memref<125x64xf32, #tpu.memory_space<vmem_shared>>
      tpu.wait_dma2 semaphore(%run_scoped3A : memref<!tpu.dma_semaphore, #tpu.memory_space<semaphore_mem>>) src(%arg16 : memref<125x64xf32, #tpu.memory_space<vmem>>) dst(%dma_wait3A_102 : memref<125x64xf32, #tpu.memory_space<vmem_shared>>)
      tpu.yield
    }) : () -> ()
    %mul3A_33 = arith.constant 625 : i32
    %mul3A_34 = arith.muli %arg1, %mul3A_33 : i32
    %add3A_35 = arith.constant 375 : i32
    %add3A_36 = arith.addi %mul3A_34, %add3A_35 : i32
    "tpu.region"() ({
      %run_scoped3A = tpu.sem_alloc : memref<!tpu.dma_semaphore, #tpu.memory_space<semaphore_mem>>
      %dma_start3A_96 = arith.constant 0 : i32
      %dma_start3A_97 = tpu.memref_slice %arg22[%add3A_36, %dma_start3A_96] : memref<10000x64xf32, #tpu.memory_space<vmem_shared>> -> memref<125x64xf32, #tpu.memory_space<vmem_shared>>
      %dma_start3A_98 = arith.constant 0 : i32
      %dma_start3A_99 = tpu.memref_slice %arg22[%add3A_36, %dma_start3A_98] : memref<10000x64xf32, #tpu.memory_space<vmem_shared>> -> memref<125x64xf32, #tpu.memory_space<vmem_shared>>
      tpu.enqueue_dma source(%arg16 : memref<125x64xf32, #tpu.memory_space<vmem>>) target(%dma_start3A_99 : memref<125x64xf32, #tpu.memory_space<vmem_shared>>) target_semaphore(%run_scoped3A : memref<!tpu.dma_semaphore, #tpu.memory_space<semaphore_mem>>)
      %dma_wait3A = arith.constant 0 : i32
      %dma_wait3A_100 = tpu.memref_slice %arg22[%add3A_36, %dma_wait3A] : memref<10000x64xf32, #tpu.memory_space<vmem_shared>> -> memref<125x64xf32, #tpu.memory_space<vmem_shared>>
      %dma_wait3A_101 = arith.constant 0 : i32
      %dma_wait3A_102 = tpu.memref_slice %arg22[%add3A_36, %dma_wait3A_101] : memref<10000x64xf32, #tpu.memory_space<vmem_shared>> -> memref<125x64xf32, #tpu.memory_space<vmem_shared>>
      tpu.wait_dma2 semaphore(%run_scoped3A : memref<!tpu.dma_semaphore, #tpu.memory_space<semaphore_mem>>) src(%arg16 : memref<125x64xf32, #tpu.memory_space<vmem>>) dst(%dma_wait3A_102 : memref<125x64xf32, #tpu.memory_space<vmem_shared>>)
      tpu.yield
    }) : () -> ()
    %mul3A_37 = arith.constant 625 : i32
    %mul3A_38 = arith.muli %arg1, %mul3A_37 : i32
    %add3A_39 = arith.constant 500 : i32
    %add3A_40 = arith.addi %mul3A_38, %add3A_39 : i32
    "tpu.region"() ({
      %run_scoped3A = tpu.sem_alloc : memref<!tpu.dma_semaphore, #tpu.memory_space<semaphore_mem>>
      %dma_start3A_96 = arith.constant 0 : i32
      %dma_start3A_97 = tpu.memref_slice %arg22[%add3A_40, %dma_start3A_96] : memref<10000x64xf32, #tpu.memory_space<vmem_shared>> -> memref<125x64xf32, #tpu.memory_space<vmem_shared>>
      %dma_start3A_98 = arith.constant 0 : i32
      %dma_start3A_99 = tpu.memref_slice %arg22[%add3A_40, %dma_start3A_98] : memref<10000x64xf32, #tpu.memory_space<vmem_shared>> -> memref<125x64xf32, #tpu.memory_space<vmem_shared>>
      tpu.enqueue_dma source(%arg16 : memref<125x64xf32, #tpu.memory_space<vmem>>) target(%dma_start3A_99 : memref<125x64xf32, #tpu.memory_space<vmem_shared>>) target_semaphore(%run_scoped3A : memref<!tpu.dma_semaphore, #tpu.memory_space<semaphore_mem>>)
      %dma_wait3A = arith.constant 0 : i32
      %dma_wait3A_100 = tpu.memref_slice %arg22[%add3A_40, %dma_wait3A] : memref<10000x64xf32, #tpu.memory_space<vmem_shared>> -> memref<125x64xf32, #tpu.memory_space<vmem_shared>>
      %dma_wait3A_101 = arith.constant 0 : i32
      %dma_wait3A_102 = tpu.memref_slice %arg22[%add3A_40, %dma_wait3A_101] : memref<10000x64xf32, #tpu.memory_space<vmem_shared>> -> memref<125x64xf32, #tpu.memory_space<vmem_shared>>
      tpu.wait_dma2 semaphore(%run_scoped3A : memref<!tpu.dma_semaphore, #tpu.memory_space<semaphore_mem>>) src(%arg16 : memref<125x64xf32, #tpu.memory_space<vmem>>) dst(%dma_wait3A_102 : memref<125x64xf32, #tpu.memory_space<vmem_shared>>)
      tpu.yield
    }) : () -> ()
    %mul3A_41 = arith.constant 317 : i32
    %mul3A_42 = arith.muli %arg1, %mul3A_41 : i32
    "tpu.region"() ({
      %run_scoped3A = tpu.sem_alloc : memref<!tpu.dma_semaphore, #tpu.memory_space<semaphore_mem>>
      %dma_start3A_96 = arith.constant 0 : i32
      %dma_start3A_97 = tpu.memref_slice %arg23[%mul3A_42, %dma_start3A_96] : memref<5072x16xf32, #tpu.memory_space<vmem_shared>> -> memref<317x16xf32, #tpu.memory_space<vmem_shared>>
      %dma_start3A_98 = arith.constant 0 : i32
      %dma_start3A_99 = tpu.memref_slice %arg23[%mul3A_42, %dma_start3A_98] : memref<5072x16xf32, #tpu.memory_space<vmem_shared>> -> memref<317x16xf32, #tpu.memory_space<vmem_shared>>
      tpu.enqueue_dma source(%arg17 : memref<317x16xf32, #tpu.memory_space<vmem>>) target(%dma_start3A_99 : memref<317x16xf32, #tpu.memory_space<vmem_shared>>) target_semaphore(%run_scoped3A : memref<!tpu.dma_semaphore, #tpu.memory_space<semaphore_mem>>)
      %dma_wait3A = arith.constant 0 : i32
      %dma_wait3A_100 = tpu.memref_slice %arg23[%mul3A_42, %dma_wait3A] : memref<5072x16xf32, #tpu.memory_space<vmem_shared>> -> memref<317x16xf32, #tpu.memory_space<vmem_shared>>
      %dma_wait3A_101 = arith.constant 0 : i32
      %dma_wait3A_102 = tpu.memref_slice %arg23[%mul3A_42, %dma_wait3A_101] : memref<5072x16xf32, #tpu.memory_space<vmem_shared>> -> memref<317x16xf32, #tpu.memory_space<vmem_shared>>
      tpu.wait_dma2 semaphore(%run_scoped3A : memref<!tpu.dma_semaphore, #tpu.memory_space<semaphore_mem>>) src(%arg17 : memref<317x16xf32, #tpu.memory_space<vmem>>) dst(%dma_wait3A_102 : memref<317x16xf32, #tpu.memory_space<vmem_shared>>)
      tpu.yield
    }) : () -> ()
    %barrier3A = arith.constant 0 : index
    tpu.barrier barrier_id(%barrier3A)
    %mul3A_43 = arith.constant 5000 : i32
    %mul3A_44 = arith.muli %arg0, %mul3A_43 : i32
    %dma_start3A = arith.constant 0 : i32
    %dma_start3A_45 = arith.constant 0 : i32
    %dma_start3A_46 = arith.constant 0 : i32
    %dma_start3A_47 = tpu.memref_slice %arg12[%dma_start3A_45, %dma_start3A_46] : memref<80x32xi32, #tpu.memory_space<vmem>> -> memref<40x32xi32, #tpu.memory_space<vmem>>
    %dma_start3A_48 = arith.constant 0 : i32
    %dma_start3A_49 = tpu.memref_slice %arg8[%dma_start3A, %dma_start3A_48] : memref<250x80xi32, #tpu.memory_space<vmem>> -> memref<1x40xi32, #tpu.memory_space<vmem>>
    %dma_start3A_50 = tpu.memref_squeeze %dma_start3A_49 : memref<1x40xi32, #tpu.memory_space<vmem>> -> memref<40xi32, #tpu.memory_space<vmem>>
    %dma_start3A_51 = arith.constant 0 : i32
    %dma_start3A_52 = arith.constant 0 : i32
    %dma_start3A_53 = tpu.memref_slice %arg2[%dma_start3A_51, %dma_start3A_52] : memref<20000x32xi32, #tpu.memory_space<hbm>> -> memref<20000x32xi32, #tpu.memory_space<hbm>>
    tpu.enqueue_indirect_dma source(%dma_start3A_53 : memref<20000x32xi32, #tpu.memory_space<hbm>>) target(%dma_start3A_47 : memref<40x32xi32, #tpu.memory_space<vmem>>) offsets(%dma_start3A_50 : memref<40xi32, #tpu.memory_space<vmem>>) semaphore(%arg18 : memref<!tpu.dma_semaphore, #tpu.memory_space<semaphore_mem>>)
    %dma_start3A_54 = arith.constant 0 : i32
    %dma_start3A_55 = arith.constant 40 : i32
    %dma_start3A_56 = arith.constant 0 : i32
    %dma_start3A_57 = tpu.memref_slice %arg12[%dma_start3A_55, %dma_start3A_56] : memref<80x32xi32, #tpu.memory_space<vmem>> -> memref<40x32xi32, #tpu.memory_space<vmem>>
    %dma_start3A_58 = arith.constant 40 : i32
    %dma_start3A_59 = tpu.memref_slice %arg8[%dma_start3A_54, %dma_start3A_58] : memref<250x80xi32, #tpu.memory_space<vmem>> -> memref<1x40xi32, #tpu.memory_space<vmem>>
    %dma_start3A_60 = tpu.memref_squeeze %dma_start3A_59 : memref<1x40xi32, #tpu.memory_space<vmem>> -> memref<40xi32, #tpu.memory_space<vmem>>
    %dma_start3A_61 = arith.constant 0 : i32
    %dma_start3A_62 = arith.constant 0 : i32
    %dma_start3A_63 = tpu.memref_slice %arg2[%dma_start3A_61, %dma_start3A_62] : memref<20000x32xi32, #tpu.memory_space<hbm>> -> memref<20000x32xi32, #tpu.memory_space<hbm>>
    tpu.enqueue_indirect_dma source(%dma_start3A_63 : memref<20000x32xi32, #tpu.memory_space<hbm>>) target(%dma_start3A_57 : memref<40x32xi32, #tpu.memory_space<vmem>>) offsets(%dma_start3A_60 : memref<40xi32, #tpu.memory_space<vmem>>) semaphore(%arg19 : memref<!tpu.dma_semaphore, #tpu.memory_space<semaphore_mem>>)
    %scan3A_64 = arith.constant 0 : i32
    %scan3A_65 = arith.constant 0 : i32
    %scan3A_66 = arith.constant 125 : i32
    %scan3A_67 = arith.addi %scan3A_65, %scan3A_66 : i32
    %scan3A_68 = arith.constant 1 : i32
    %scan3A_69 = scf.for %scan3A_96 = %scan3A_65 to %scan3A_67 step %scan3A_68 iter_args(%scan3A_97 = %scan3A_64) -> (i32)  : i32 {
      %mul3A_98 = arith.constant 2 : i32
      %mul3A_99 = arith.muli %scan3A_96, %mul3A_98 : i32
      %add3A_100 = arith.constant 0 : i32
      %add3A_101 = arith.addi %mul3A_99, %add3A_100 : i32
      %add3A_102 = arith.constant 1 : i32
      %add3A_103 = arith.addi %add3A_101, %add3A_102 : i32
      %lt3A = arith.constant 250 : i32
      %lt3A_104 = arith.cmpi slt, %add3A_103, %lt3A : i32
      %convert_element_type3A = arith.extui %lt3A_104 : i1 to i32
      %cond3A = arith.constant 0 : i32
      %cond3A_105 = arith.cmpi ne, %convert_element_type3A, %cond3A : i32
      scf.if %cond3A_105 {
        %add3A_171 = arith.constant 1 : i32
        %add3A_172 = arith.addi %add3A_101, %add3A_171 : i32
        %dma_start3A_173 = arith.constant 0 : i32
        %dma_start3A_174 = arith.constant 0 : i32
        %dma_start3A_175 = tpu.memref_slice %arg13[%dma_start3A_173, %dma_start3A_174] : memref<80x32xi32, #tpu.memory_space<vmem>> -> memref<40x32xi32, #tpu.memory_space<vmem>>
        %dma_start3A_176 = arith.constant 0 : i32
        %dma_start3A_177 = tpu.memref_slice %arg8[%add3A_172, %dma_start3A_176] : memref<250x80xi32, #tpu.memory_space<vmem>> -> memref<1x40xi32, #tpu.memory_space<vmem>>
        %dma_start3A_178 = tpu.memref_squeeze %dma_start3A_177 : memref<1x40xi32, #tpu.memory_space<vmem>> -> memref<40xi32, #tpu.memory_space<vmem>>
        %dma_start3A_179 = arith.constant 0 : i32
        %dma_start3A_180 = arith.constant 0 : i32
        %dma_start3A_181 = tpu.memref_slice %arg2[%dma_start3A_179, %dma_start3A_180] : memref<20000x32xi32, #tpu.memory_space<hbm>> -> memref<20000x32xi32, #tpu.memory_space<hbm>>
        tpu.enqueue_indirect_dma source(%dma_start3A_181 : memref<20000x32xi32, #tpu.memory_space<hbm>>) target(%dma_start3A_175 : memref<40x32xi32, #tpu.memory_space<vmem>>) offsets(%dma_start3A_178 : memref<40xi32, #tpu.memory_space<vmem>>) semaphore(%arg20 : memref<!tpu.dma_semaphore, #tpu.memory_space<semaphore_mem>>)
        %add3A_182 = arith.constant 1 : i32
        %add3A_183 = arith.addi %add3A_101, %add3A_182 : i32
        %dma_start3A_184 = arith.constant 40 : i32
        %dma_start3A_185 = arith.constant 0 : i32
        %dma_start3A_186 = tpu.memref_slice %arg13[%dma_start3A_184, %dma_start3A_185] : memref<80x32xi32, #tpu.memory_space<vmem>> -> memref<40x32xi32, #tpu.memory_space<vmem>>
        %dma_start3A_187 = arith.constant 40 : i32
        %dma_start3A_188 = tpu.memref_slice %arg8[%add3A_183, %dma_start3A_187] : memref<250x80xi32, #tpu.memory_space<vmem>> -> memref<1x40xi32, #tpu.memory_space<vmem>>
        %dma_start3A_189 = tpu.memref_squeeze %dma_start3A_188 : memref<1x40xi32, #tpu.memory_space<vmem>> -> memref<40xi32, #tpu.memory_space<vmem>>
        %dma_start3A_190 = arith.constant 0 : i32
        %dma_start3A_191 = arith.constant 0 : i32
        %dma_start3A_192 = tpu.memref_slice %arg2[%dma_start3A_190, %dma_start3A_191] : memref<20000x32xi32, #tpu.memory_space<hbm>> -> memref<20000x32xi32, #tpu.memory_space<hbm>>
        tpu.enqueue_indirect_dma source(%dma_start3A_192 : memref<20000x32xi32, #tpu.memory_space<hbm>>) target(%dma_start3A_186 : memref<40x32xi32, #tpu.memory_space<vmem>>) offsets(%dma_start3A_189 : memref<40xi32, #tpu.memory_space<vmem>>) semaphore(%arg21 : memref<!tpu.dma_semaphore, #tpu.memory_space<semaphore_mem>>)
      } else {
      }
      %scan3A_106 = arith.constant 0 : i32
      %scan3A_107 = arith.constant 0 : i32
      %scan3A_108 = arith.constant 5 : i32
      %scan3A_109 = arith.addi %scan3A_107, %scan3A_108 : i32
      %scan3A_110 = arith.constant 1 : i32
      %scan3A_111 = scf.for %scan3A_171 = %scan3A_107 to %scan3A_109 step %scan3A_110 iter_args(%scan3A_172 = %scan3A_106) -> (i32)  : i32 {
        %mul3A_173 = arith.constant 16 : i32
        %mul3A_174 = arith.muli %scan3A_171, %mul3A_173 : i32
        %get3A = arith.index_cast %add3A_101 : i32 to index
        %get3A_175 = arith.index_cast %mul3A_174 : i32 to index
        %get3A_176 = tpu.vector_load %arg9[%get3A, %get3A_175] {strides = array<i32>} : memref<250x80xi32, #tpu.memory_space<vmem>>, vector<16xi32>,
        %sub3A = vector.broadcast %mul3A_44 : i32 to vector<16xi32>
        %sub3A_177 = arith.subi %get3A_176, %sub3A : vector<16xi32>
        %ge3A = arith.constant 0 : i32
        %ge3A_178 = vector.broadcast %ge3A : i32 to vector<16xi32>
        %ge3A_179 = arith.cmpi sge, %sub3A_177, %ge3A_178 : vector<16xi32>
        %lt3A_180 = arith.constant 5000 : i32
        %lt3A_181 = vector.broadcast %lt3A_180 : i32 to vector<16xi32>
        %lt3A_182 = arith.cmpi slt, %sub3A_177, %lt3A_181 : vector<16xi32>
        %and3A = arith.andi %ge3A_179, %lt3A_182 : vector<16xi1>
        %and3A_183 = arith.constant 63 : i32
        %and3A_184 = vector.broadcast %and3A_183 : i32 to vector<16xi32>
        %and3A_185 = arith.andi %get3A_176, %and3A_184 : vector<16xi32>
        %add3A_186 = arith.constant 5000 : i32
        %add3A_187 = vector.broadcast %add3A_186 : i32 to vector<16xi32>
        %add3A_188 = arith.addi %add3A_187, %and3A_185 : vector<16xi32>
        %select_n3A = arith.select %and3A, %sub3A_177, %add3A_188 : vector<16xi1>, vector<16xi32>
        %mul3A_189 = arith.constant 16 : i32
        %mul3A_190 = arith.muli %scan3A_171, %mul3A_189 : i32
        %swap3A = arith.index_cast %mul3A_190 : i32 to index
        %swap3A_191 = tpu.vector_load %arg11[%swap3A] {strides = array<i32>} : memref<80xi32, #tpu.memory_space<vmem>>, vector<16xi32>,
        tpu.vector_store %arg11[%swap3A], %select_n3A {strides = array<i32>} : memref<80xi32, #tpu.memory_space<vmem>>, vector<16xi32>,
        %scan3A_192 = arith.constant 0 : i32
        scf.yield %scan3A_192 : i32
      }
      %scan3A_112 = arith.constant 5 : i32
      "tpu.region"() ({
        %run_scoped3A = tpu.sem_alloc : memref<!tpu.dma_semaphore, #tpu.memory_space<semaphore_mem>>
        %dma_start3A_171 = arith.constant 0 : i32
        %dma_start3A_172 = arith.constant 0 : i32
        %dma_start3A_173 = tpu.memref_slice %arg23[%dma_start3A_171, %dma_start3A_172] : memref<5072x16xf32, #tpu.memory_space<vmem_shared>> -> memref<5072x16xf32, #tpu.memory_space<vmem_shared>>
        tpu.enqueue_indirect_dma source(%arg15 : memref<80x16xf32, #tpu.memory_space<vmem>>) target(%dma_start3A_173 : memref<5072x16xf32, #tpu.memory_space<vmem_shared>>) offsets(%arg11 : memref<80xi32, #tpu.memory_space<vmem>>) semaphore(%run_scoped3A : memref<!tpu.dma_semaphore, #tpu.memory_space<semaphore_mem>>) {add = true}
        %dma_wait3A_174 = arith.constant 0 : i32
        %dma_wait3A_175 = arith.constant 0 : i32
        %dma_wait3A_176 = tpu.memref_slice %arg23[%dma_wait3A_174, %dma_wait3A_175] : memref<5072x16xf32, #tpu.memory_space<vmem_shared>> -> memref<5072x16xf32, #tpu.memory_space<vmem_shared>>
        tpu.wait_indirect_dma semaphore(%run_scoped3A : memref<!tpu.dma_semaphore, #tpu.memory_space<semaphore_mem>>) src(%arg15 : memref<80x16xf32, #tpu.memory_space<vmem>>) dst(%dma_wait3A_176 : memref<5072x16xf32, #tpu.memory_space<vmem_shared>>)
        tpu.yield
      }) : () -> ()
      %dma_wait3A = arith.constant 0 : i32
      %dma_wait3A_113 = arith.constant 0 : i32
      %dma_wait3A_114 = tpu.memref_slice %arg12[%dma_wait3A, %dma_wait3A_113] : memref<80x32xi32, #tpu.memory_space<vmem>> -> memref<40x32xi32, #tpu.memory_space<vmem>>
      %dma_wait3A_115 = arith.constant 0 : i32
      %dma_wait3A_116 = tpu.memref_slice %arg8[%add3A_101, %dma_wait3A_115] : memref<250x80xi32, #tpu.memory_space<vmem>> -> memref<1x40xi32, #tpu.memory_space<vmem>>
      %dma_wait3A_117 = tpu.memref_squeeze %dma_wait3A_116 : memref<1x40xi32, #tpu.memory_space<vmem>> -> memref<40xi32, #tpu.memory_space<vmem>>
      %dma_wait3A_118 = arith.constant 0 : i32
      %dma_wait3A_119 = arith.constant 0 : i32
      %dma_wait3A_120 = tpu.memref_slice %arg2[%dma_wait3A_118, %dma_wait3A_119] : memref<20000x32xi32, #tpu.memory_space<hbm>> -> memref<20000x32xi32, #tpu.memory_space<hbm>>
      tpu.wait_indirect_dma semaphore(%arg18 : memref<!tpu.dma_semaphore, #tpu.memory_space<semaphore_mem>>) src(%dma_wait3A_120 : memref<20000x32xi32, #tpu.memory_space<hbm>>) dst(%dma_wait3A_114 : memref<40x32xi32, #tpu.memory_space<vmem>>)
      %dma_wait3A_121 = arith.constant 40 : i32
      %dma_wait3A_122 = arith.constant 0 : i32
      %dma_wait3A_123 = tpu.memref_slice %arg12[%dma_wait3A_121, %dma_wait3A_122] : memref<80x32xi32, #tpu.memory_space<vmem>> -> memref<40x32xi32, #tpu.memory_space<vmem>>
      %dma_wait3A_124 = arith.constant 40 : i32
      %dma_wait3A_125 = tpu.memref_slice %arg8[%add3A_101, %dma_wait3A_124] : memref<250x80xi32, #tpu.memory_space<vmem>> -> memref<1x40xi32, #tpu.memory_space<vmem>>
      %dma_wait3A_126 = tpu.memref_squeeze %dma_wait3A_125 : memref<1x40xi32, #tpu.memory_space<vmem>> -> memref<40xi32, #tpu.memory_space<vmem>>
      %dma_wait3A_127 = arith.constant 0 : i32
      %dma_wait3A_128 = arith.constant 0 : i32
      %dma_wait3A_129 = tpu.memref_slice %arg2[%dma_wait3A_127, %dma_wait3A_128] : memref<20000x32xi32, #tpu.memory_space<hbm>> -> memref<20000x32xi32, #tpu.memory_space<hbm>>
      tpu.wait_indirect_dma semaphore(%arg19 : memref<!tpu.dma_semaphore, #tpu.memory_space<semaphore_mem>>) src(%dma_wait3A_129 : memref<20000x32xi32, #tpu.memory_space<hbm>>) dst(%dma_wait3A_123 : memref<40x32xi32, #tpu.memory_space<vmem>>)
      %mul3A_130 = arith.constant 80 : i32
      %mul3A_131 = arith.muli %add3A_101, %mul3A_130 : i32
      "tpu.region"() ({
        %run_scoped3A = tpu.sem_alloc : memref<!tpu.dma_semaphore, #tpu.memory_space<semaphore_mem>>
        %dma_start3A_171 = arith.constant 0 : i32
        %dma_start3A_172 = tpu.memref_slice %arg9[%add3A_101, %dma_start3A_171] : memref<250x80xi32, #tpu.memory_space<vmem>> -> memref<1x80xi32, #tpu.memory_space<vmem>>
        %dma_start3A_173 = tpu.memref_squeeze %dma_start3A_172 : memref<1x80xi32, #tpu.memory_space<vmem>> -> memref<80xi32, #tpu.memory_space<vmem>>
        %dma_start3A_174 = arith.constant 0 : i32
        %dma_start3A_175 = arith.constant 0 : i32
        %dma_start3A_176 = tpu.memref_slice %arg22[%dma_start3A_174, %dma_start3A_175] : memref<10000x64xf32, #tpu.memory_space<vmem_shared>> -> memref<10000x64xf32, #tpu.memory_space<vmem_shared>>
        tpu.enqueue_indirect_dma source(%arg14 : memref<80x64xf32, #tpu.memory_space<vmem>>) target(%dma_start3A_176 : memref<10000x64xf32, #tpu.memory_space<vmem_shared>>) offsets(%dma_start3A_173 : memref<80xi32, #tpu.memory_space<vmem>>) semaphore(%run_scoped3A : memref<!tpu.dma_semaphore, #tpu.memory_space<semaphore_mem>>) {add = true}
        %dma_wait3A_177 = arith.constant 0 : i32
        %dma_wait3A_178 = tpu.memref_slice %arg9[%add3A_101, %dma_wait3A_177] : memref<250x80xi32, #tpu.memory_space<vmem>> -> memref<1x80xi32, #tpu.memory_space<vmem>>
        %dma_wait3A_179 = tpu.memref_squeeze %dma_wait3A_178 : memref<1x80xi32, #tpu.memory_space<vmem>> -> memref<80xi32, #tpu.memory_space<vmem>>
        %dma_wait3A_180 = arith.constant 0 : i32
        %dma_wait3A_181 = arith.constant 0 : i32
        %dma_wait3A_182 = tpu.memref_slice %arg22[%dma_wait3A_180, %dma_wait3A_181] : memref<10000x64xf32, #tpu.memory_space<vmem_shared>> -> memref<10000x64xf32, #tpu.memory_space<vmem_shared>>
        tpu.wait_indirect_dma semaphore(%run_scoped3A : memref<!tpu.dma_semaphore, #tpu.memory_space<semaphore_mem>>) src(%arg14 : memref<80x64xf32, #tpu.memory_space<vmem>>) dst(%dma_wait3A_182 : memref<10000x64xf32, #tpu.memory_space<vmem_shared>>)
        tpu.yield
      }) : () -> ()
      %mul3A_132 = arith.constant 2 : i32
      %mul3A_133 = arith.muli %scan3A_96, %mul3A_132 : i32
      %add3A_134 = arith.constant 1 : i32
      %add3A_135 = arith.addi %mul3A_133, %add3A_134 : i32
      %add3A_136 = arith.constant 1 : i32
      %add3A_137 = arith.addi %add3A_135, %add3A_136 : i32
      %lt3A_138 = arith.constant 250 : i32
      %lt3A_139 = arith.cmpi slt, %add3A_137, %lt3A_138 : i32
      %convert_element_type3A_140 = arith.extui %lt3A_139 : i1 to i32
      %cond3A_141 = arith.constant 0 : i32
      %cond3A_142 = arith.cmpi ne, %convert_element_type3A_140, %cond3A_141 : i32
      scf.if %cond3A_142 {
        %add3A_171 = arith.constant 1 : i32
        %add3A_172 = arith.addi %add3A_135, %add3A_171 : i32
        %dma_start3A_173 = arith.constant 0 : i32
        %dma_start3A_174 = arith.constant 0 : i32
        %dma_start3A_175 = tpu.memref_slice %arg12[%dma_start3A_173, %dma_start3A_174] : memref<80x32xi32, #tpu.memory_space<vmem>> -> memref<40x32xi32, #tpu.memory_space<vmem>>
        %dma_start3A_176 = arith.constant 0 : i32
        %dma_start3A_177 = tpu.memref_slice %arg8[%add3A_172, %dma_start3A_176] : memref<250x80xi32, #tpu.memory_space<vmem>> -> memref<1x40xi32, #tpu.memory_space<vmem>>
        %dma_start3A_178 = tpu.memref_squeeze %dma_start3A_177 : memref<1x40xi32, #tpu.memory_space<vmem>> -> memref<40xi32, #tpu.memory_space<vmem>>
        %dma_start3A_179 = arith.constant 0 : i32
        %dma_start3A_180 = arith.constant 0 : i32
        %dma_start3A_181 = tpu.memref_slice %arg2[%dma_start3A_179, %dma_start3A_180] : memref<20000x32xi32, #tpu.memory_space<hbm>> -> memref<20000x32xi32, #tpu.memory_space<hbm>>
        tpu.enqueue_indirect_dma source(%dma_start3A_181 : memref<20000x32xi32, #tpu.memory_space<hbm>>) target(%dma_start3A_175 : memref<40x32xi32, #tpu.memory_space<vmem>>) offsets(%dma_start3A_178 : memref<40xi32, #tpu.memory_space<vmem>>) semaphore(%arg18 : memref<!tpu.dma_semaphore, #tpu.memory_space<semaphore_mem>>)
        %add3A_182 = arith.constant 1 : i32
        %add3A_183 = arith.addi %add3A_135, %add3A_182 : i32
        %dma_start3A_184 = arith.constant 40 : i32
        %dma_start3A_185 = arith.constant 0 : i32
        %dma_start3A_186 = tpu.memref_slice %arg12[%dma_start3A_184, %dma_start3A_185] : memref<80x32xi32, #tpu.memory_space<vmem>> -> memref<40x32xi32, #tpu.memory_space<vmem>>
        %dma_start3A_187 = arith.constant 40 : i32
        %dma_start3A_188 = tpu.memref_slice %arg8[%add3A_183, %dma_start3A_187] : memref<250x80xi32, #tpu.memory_space<vmem>> -> memref<1x40xi32, #tpu.memory_space<vmem>>
        %dma_start3A_189 = tpu.memref_squeeze %dma_start3A_188 : memref<1x40xi32, #tpu.memory_space<vmem>> -> memref<40xi32, #tpu.memory_space<vmem>>
        %dma_start3A_190 = arith.constant 0 : i32
        %dma_start3A_191 = arith.constant 0 : i32
        %dma_start3A_192 = tpu.memref_slice %arg2[%dma_start3A_190, %dma_start3A_191] : memref<20000x32xi32, #tpu.memory_space<hbm>> -> memref<20000x32xi32, #tpu.memory_space<hbm>>
        tpu.enqueue_indirect_dma source(%dma_start3A_192 : memref<20000x32xi32, #tpu.memory_space<hbm>>) target(%dma_start3A_186 : memref<40x32xi32, #tpu.memory_space<vmem>>) offsets(%dma_start3A_189 : memref<40xi32, #tpu.memory_space<vmem>>) semaphore(%arg19 : memref<!tpu.dma_semaphore, #tpu.memory_space<semaphore_mem>>)
      } else {
      }
      %scan3A_143 = arith.constant 0 : i32
      %scan3A_144 = arith.constant 0 : i32
      %scan3A_145 = arith.constant 5 : i32
      %scan3A_146 = arith.addi %scan3A_144, %scan3A_145 : i32
      %scan3A_147 = arith.constant 1 : i32
      %scan3A_148 = scf.for %scan3A_171 = %scan3A_144 to %scan3A_146 step %scan3A_147 iter_args(%scan3A_172 = %scan3A_143) -> (i32)  : i32 {
        %mul3A_173 = arith.constant 16 : i32
        %mul3A_174 = arith.muli %scan3A_171, %mul3A_173 : i32
        %get3A = arith.index_cast %add3A_135 : i32 to index
        %get3A_175 = arith.index_cast %mul3A_174 : i32 to index
        %get3A_176 = tpu.vector_load %arg9[%get3A, %get3A_175] {strides = array<i32>} : memref<250x80xi32, #tpu.memory_space<vmem>>, vector<16xi32>,
        %sub3A = vector.broadcast %mul3A_44 : i32 to vector<16xi32>
        %sub3A_177 = arith.subi %get3A_176, %sub3A : vector<16xi32>
        %ge3A = arith.constant 0 : i32
        %ge3A_178 = vector.broadcast %ge3A : i32 to vector<16xi32>
        %ge3A_179 = arith.cmpi sge, %sub3A_177, %ge3A_178 : vector<16xi32>
        %lt3A_180 = arith.constant 5000 : i32
        %lt3A_181 = vector.broadcast %lt3A_180 : i32 to vector<16xi32>
        %lt3A_182 = arith.cmpi slt, %sub3A_177, %lt3A_181 : vector<16xi32>
        %and3A = arith.andi %ge3A_179, %lt3A_182 : vector<16xi1>
        %and3A_183 = arith.constant 63 : i32
        %and3A_184 = vector.broadcast %and3A_183 : i32 to vector<16xi32>
        %and3A_185 = arith.andi %get3A_176, %and3A_184 : vector<16xi32>
        %add3A_186 = arith.constant 5000 : i32
        %add3A_187 = vector.broadcast %add3A_186 : i32 to vector<16xi32>
        %add3A_188 = arith.addi %add3A_187, %and3A_185 : vector<16xi32>
        %select_n3A = arith.select %and3A, %sub3A_177, %add3A_188 : vector<16xi1>, vector<16xi32>
        %mul3A_189 = arith.constant 16 : i32
        %mul3A_190 = arith.muli %scan3A_171, %mul3A_189 : i32
        %swap3A = arith.index_cast %mul3A_190 : i32 to index
        %swap3A_191 = tpu.vector_load %arg11[%swap3A] {strides = array<i32>} : memref<80xi32, #tpu.memory_space<vmem>>, vector<16xi32>,
        tpu.vector_store %arg11[%swap3A], %select_n3A {strides = array<i32>} : memref<80xi32, #tpu.memory_space<vmem>>, vector<16xi32>,
        %scan3A_192 = arith.constant 0 : i32
        scf.yield %scan3A_192 : i32
      }
      %scan3A_149 = arith.constant 5 : i32
      "tpu.region"() ({
        %run_scoped3A = tpu.sem_alloc : memref<!tpu.dma_semaphore, #tpu.memory_space<semaphore_mem>>
        %dma_start3A_171 = arith.constant 0 : i32
        %dma_start3A_172 = arith.constant 0 : i32
        %dma_start3A_173 = tpu.memref_slice %arg23[%dma_start3A_171, %dma_start3A_172] : memref<5072x16xf32, #tpu.memory_space<vmem_shared>> -> memref<5072x16xf32, #tpu.memory_space<vmem_shared>>
        tpu.enqueue_indirect_dma source(%arg15 : memref<80x16xf32, #tpu.memory_space<vmem>>) target(%dma_start3A_173 : memref<5072x16xf32, #tpu.memory_space<vmem_shared>>) offsets(%arg11 : memref<80xi32, #tpu.memory_space<vmem>>) semaphore(%run_scoped3A : memref<!tpu.dma_semaphore, #tpu.memory_space<semaphore_mem>>) {add = true}
        %dma_wait3A_174 = arith.constant 0 : i32
        %dma_wait3A_175 = arith.constant 0 : i32
        %dma_wait3A_176 = tpu.memref_slice %arg23[%dma_wait3A_174, %dma_wait3A_175] : memref<5072x16xf32, #tpu.memory_space<vmem_shared>> -> memref<5072x16xf32, #tpu.memory_space<vmem_shared>>
        tpu.wait_indirect_dma semaphore(%run_scoped3A : memref<!tpu.dma_semaphore, #tpu.memory_space<semaphore_mem>>) src(%arg15 : memref<80x16xf32, #tpu.memory_space<vmem>>) dst(%dma_wait3A_176 : memref<5072x16xf32, #tpu.memory_space<vmem_shared>>)
        tpu.yield
      }) : () -> ()
      %dma_wait3A_150 = arith.constant 0 : i32
      %dma_wait3A_151 = arith.constant 0 : i32
      %dma_wait3A_152 = tpu.memref_slice %arg13[%dma_wait3A_150, %dma_wait3A_151] : memref<80x32xi32, #tpu.memory_space<vmem>> -> memref<40x32xi32, #tpu.memory_space<vmem>>
      %dma_wait3A_153 = arith.constant 0 : i32
      %dma_wait3A_154 = tpu.memref_slice %arg8[%add3A_135, %dma_wait3A_153] : memref<250x80xi32, #tpu.memory_space<vmem>> -> memref<1x40xi32, #tpu.memory_space<vmem>>
      %dma_wait3A_155 = tpu.memref_squeeze %dma_wait3A_154 : memref<1x40xi32, #tpu.memory_space<vmem>> -> memref<40xi32, #tpu.memory_space<vmem>>
      %dma_wait3A_156 = arith.constant 0 : i32
      %dma_wait3A_157 = arith.constant 0 : i32
      %dma_wait3A_158 = tpu.memref_slice %arg2[%dma_wait3A_156, %dma_wait3A_157] : memref<20000x32xi32, #tpu.memory_space<hbm>> -> memref<20000x32xi32, #tpu.memory_space<hbm>>
      tpu.wait_indirect_dma semaphore(%arg20 : memref<!tpu.dma_semaphore, #tpu.memory_space<semaphore_mem>>) src(%dma_wait3A_158 : memref<20000x32xi32, #tpu.memory_space<hbm>>) dst(%dma_wait3A_152 : memref<40x32xi32, #tpu.memory_space<vmem>>)
      %dma_wait3A_159 = arith.constant 40 : i32
      %dma_wait3A_160 = arith.constant 0 : i32
      %dma_wait3A_161 = tpu.memref_slice %arg13[%dma_wait3A_159, %dma_wait3A_160] : memref<80x32xi32, #tpu.memory_space<vmem>> -> memref<40x32xi32, #tpu.memory_space<vmem>>
      %dma_wait3A_162 = arith.constant 40 : i32
      %dma_wait3A_163 = tpu.memref_slice %arg8[%add3A_135, %dma_wait3A_162] : memref<250x80xi32, #tpu.memory_space<vmem>> -> memref<1x40xi32, #tpu.memory_space<vmem>>
      %dma_wait3A_164 = tpu.memref_squeeze %dma_wait3A_163 : memref<1x40xi32, #tpu.memory_space<vmem>> -> memref<40xi32, #tpu.memory_space<vmem>>
      %dma_wait3A_165 = arith.constant 0 : i32
      %dma_wait3A_166 = arith.constant 0 : i32
      %dma_wait3A_167 = tpu.memref_slice %arg2[%dma_wait3A_165, %dma_wait3A_166] : memref<20000x32xi32, #tpu.memory_space<hbm>> -> memref<20000x32xi32, #tpu.memory_space<hbm>>
      tpu.wait_indirect_dma semaphore(%arg21 : memref<!tpu.dma_semaphore, #tpu.memory_space<semaphore_mem>>) src(%dma_wait3A_167 : memref<20000x32xi32, #tpu.memory_space<hbm>>) dst(%dma_wait3A_161 : memref<40x32xi32, #tpu.memory_space<vmem>>)
      %mul3A_168 = arith.constant 80 : i32
      %mul3A_169 = arith.muli %add3A_135, %mul3A_168 : i32
      "tpu.region"() ({
        %run_scoped3A = tpu.sem_alloc : memref<!tpu.dma_semaphore, #tpu.memory_space<semaphore_mem>>
        %dma_start3A_171 = arith.constant 0 : i32
        %dma_start3A_172 = tpu.memref_slice %arg9[%add3A_135, %dma_start3A_171] : memref<250x80xi32, #tpu.memory_space<vmem>> -> memref<1x80xi32, #tpu.memory_space<vmem>>
        %dma_start3A_173 = tpu.memref_squeeze %dma_start3A_172 : memref<1x80xi32, #tpu.memory_space<vmem>> -> memref<80xi32, #tpu.memory_space<vmem>>
        %dma_start3A_174 = arith.constant 0 : i32
        %dma_start3A_175 = arith.constant 0 : i32
        %dma_start3A_176 = tpu.memref_slice %arg22[%dma_start3A_174, %dma_start3A_175] : memref<10000x64xf32, #tpu.memory_space<vmem_shared>> -> memref<10000x64xf32, #tpu.memory_space<vmem_shared>>
        tpu.enqueue_indirect_dma source(%arg14 : memref<80x64xf32, #tpu.memory_space<vmem>>) target(%dma_start3A_176 : memref<10000x64xf32, #tpu.memory_space<vmem_shared>>) offsets(%dma_start3A_173 : memref<80xi32, #tpu.memory_space<vmem>>) semaphore(%run_scoped3A : memref<!tpu.dma_semaphore, #tpu.memory_space<semaphore_mem>>) {add = true}
        %dma_wait3A_177 = arith.constant 0 : i32
        %dma_wait3A_178 = tpu.memref_slice %arg9[%add3A_135, %dma_wait3A_177] : memref<250x80xi32, #tpu.memory_space<vmem>> -> memref<1x80xi32, #tpu.memory_space<vmem>>
        %dma_wait3A_179 = tpu.memref_squeeze %dma_wait3A_178 : memref<1x80xi32, #tpu.memory_space<vmem>> -> memref<80xi32, #tpu.memory_space<vmem>>
        %dma_wait3A_180 = arith.constant 0 : i32
        %dma_wait3A_181 = arith.constant 0 : i32
        %dma_wait3A_182 = tpu.memref_slice %arg22[%dma_wait3A_180, %dma_wait3A_181] : memref<10000x64xf32, #tpu.memory_space<vmem_shared>> -> memref<10000x64xf32, #tpu.memory_space<vmem_shared>>
        tpu.wait_indirect_dma semaphore(%run_scoped3A : memref<!tpu.dma_semaphore, #tpu.memory_space<semaphore_mem>>) src(%arg14 : memref<80x64xf32, #tpu.memory_space<vmem>>) dst(%dma_wait3A_182 : memref<10000x64xf32, #tpu.memory_space<vmem_shared>>)
        tpu.yield
      }) : () -> ()
      %scan3A_170 = arith.constant 0 : i32
      scf.yield %scan3A_170 : i32
    }
    %scan3A_70 = arith.constant 125 : i32
    %barrier3A_71 = arith.constant 0 : index
    tpu.barrier barrier_id(%barrier3A_71)
    %mul3A_72 = arith.constant 625 : i32
    %mul3A_73 = arith.muli %arg1, %mul3A_72 : i32
    %add3A_74 = arith.constant 0 : i32
    %add3A_75 = arith.addi %mul3A_73, %add3A_74 : i32
    "tpu.region"() ({
      %run_scoped3A = tpu.sem_alloc : memref<!tpu.dma_semaphore, #tpu.memory_space<semaphore_mem>>
      %dma_start3A_96 = arith.constant 0 : i32
      %dma_start3A_97 = tpu.memref_slice %arg22[%add3A_75, %dma_start3A_96] : memref<10000x64xf32, #tpu.memory_space<vmem_shared>> -> memref<125x64xf32, #tpu.memory_space<vmem_shared>>
      %dma_start3A_98 = arith.constant 0 : i32
      %dma_start3A_99 = tpu.memref_slice %arg22[%add3A_75, %dma_start3A_98] : memref<10000x64xf32, #tpu.memory_space<vmem_shared>> -> memref<125x64xf32, #tpu.memory_space<vmem_shared>>
      tpu.enqueue_dma source(%dma_start3A_99 : memref<125x64xf32, #tpu.memory_space<vmem_shared>>) target(%arg16 : memref<125x64xf32, #tpu.memory_space<vmem>>) target_semaphore(%run_scoped3A : memref<!tpu.dma_semaphore, #tpu.memory_space<semaphore_mem>>)
      %dma_wait3A = arith.constant 0 : i32
      %dma_wait3A_100 = tpu.memref_slice %arg22[%add3A_75, %dma_wait3A] : memref<10000x64xf32, #tpu.memory_space<vmem_shared>> -> memref<125x64xf32, #tpu.memory_space<vmem_shared>>
      %dma_wait3A_101 = arith.constant 0 : i32
      %dma_wait3A_102 = tpu.memref_slice %arg22[%add3A_75, %dma_wait3A_101] : memref<10000x64xf32, #tpu.memory_space<vmem_shared>> -> memref<125x64xf32, #tpu.memory_space<vmem_shared>>
      tpu.wait_dma2 semaphore(%run_scoped3A : memref<!tpu.dma_semaphore, #tpu.memory_space<semaphore_mem>>) src(%dma_wait3A_102 : memref<125x64xf32, #tpu.memory_space<vmem_shared>>) dst(%arg16 : memref<125x64xf32, #tpu.memory_space<vmem>>)
      tpu.yield
    }) : () -> ()
    "tpu.region"() ({
      %run_scoped3A = tpu.sem_alloc : memref<!tpu.dma_semaphore, #tpu.memory_space<semaphore_mem>>
      %dma_start3A_96 = arith.constant 0 : i32
      %dma_start3A_97 = tpu.memref_slice %arg6[%arg0, %add3A_75, %dma_start3A_96] : memref<2x10000x64xf32, #tpu.memory_space<hbm>> -> memref<1x125x64xf32, #tpu.memory_space<hbm>>
      %dma_start3A_98 = tpu.memref_squeeze %dma_start3A_97 : memref<1x125x64xf32, #tpu.memory_space<hbm>> -> memref<125x64xf32, #tpu.memory_space<hbm>>
      %dma_start3A_99 = arith.constant 0 : i32
      %dma_start3A_100 = tpu.memref_slice %arg6[%arg0, %add3A_75, %dma_start3A_99] : memref<2x10000x64xf32, #tpu.memory_space<hbm>> -> memref<1x125x64xf32, #tpu.memory_space<hbm>>
      %dma_start3A_101 = tpu.memref_squeeze %dma_start3A_100 : memref<1x125x64xf32, #tpu.memory_space<hbm>> -> memref<125x64xf32, #tpu.memory_space<hbm>>
      tpu.enqueue_dma source(%arg16 : memref<125x64xf32, #tpu.memory_space<vmem>>) target(%dma_start3A_101 : memref<125x64xf32, #tpu.memory_space<hbm>>) target_semaphore(%run_scoped3A : memref<!tpu.dma_semaphore, #tpu.memory_space<semaphore_mem>>)
      %dma_wait3A = arith.constant 0 : i32
      %dma_wait3A_102 = tpu.memref_slice %arg6[%arg0, %add3A_75, %dma_wait3A] : memref<2x10000x64xf32, #tpu.memory_space<hbm>> -> memref<1x125x64xf32, #tpu.memory_space<hbm>>
      %dma_wait3A_103 = tpu.memref_squeeze %dma_wait3A_102 : memref<1x125x64xf32, #tpu.memory_space<hbm>> -> memref<125x64xf32, #tpu.memory_space<hbm>>
      %dma_wait3A_104 = arith.constant 0 : i32
      %dma_wait3A_105 = tpu.memref_slice %arg6[%arg0, %add3A_75, %dma_wait3A_104] : memref<2x10000x64xf32, #tpu.memory_space<hbm>> -> memref<1x125x64xf32, #tpu.memory_space<hbm>>
      %dma_wait3A_106 = tpu.memref_squeeze %dma_wait3A_105 : memref<1x125x64xf32, #tpu.memory_space<hbm>> -> memref<125x64xf32, #tpu.memory_space<hbm>>
      tpu.wait_dma2 semaphore(%run_scoped3A : memref<!tpu.dma_semaphore, #tpu.memory_space<semaphore_mem>>) src(%arg16 : memref<125x64xf32, #tpu.memory_space<vmem>>) dst(%dma_wait3A_106 : memref<125x64xf32, #tpu.memory_space<hbm>>)
      tpu.yield
    }) : () -> ()
    %mul3A_76 = arith.constant 625 : i32
    %mul3A_77 = arith.muli %arg1, %mul3A_76 : i32
    %add3A_78 = arith.constant 125 : i32
    %add3A_79 = arith.addi %mul3A_77, %add3A_78 : i32
    "tpu.region"() ({
      %run_scoped3A = tpu.sem_alloc : memref<!tpu.dma_semaphore, #tpu.memory_space<semaphore_mem>>
      %dma_start3A_96 = arith.constant 0 : i32
      %dma_start3A_97 = tpu.memref_slice %arg22[%add3A_79, %dma_start3A_96] : memref<10000x64xf32, #tpu.memory_space<vmem_shared>> -> memref<125x64xf32, #tpu.memory_space<vmem_shared>>
      %dma_start3A_98 = arith.constant 0 : i32
      %dma_start3A_99 = tpu.memref_slice %arg22[%add3A_79, %dma_start3A_98] : memref<10000x64xf32, #tpu.memory_space<vmem_shared>> -> memref<125x64xf32, #tpu.memory_space<vmem_shared>>
      tpu.enqueue_dma source(%dma_start3A_99 : memref<125x64xf32, #tpu.memory_space<vmem_shared>>) target(%arg16 : memref<125x64xf32, #tpu.memory_space<vmem>>) target_semaphore(%run_scoped3A : memref<!tpu.dma_semaphore, #tpu.memory_space<semaphore_mem>>)
      %dma_wait3A = arith.constant 0 : i32
      %dma_wait3A_100 = tpu.memref_slice %arg22[%add3A_79, %dma_wait3A] : memref<10000x64xf32, #tpu.memory_space<vmem_shared>> -> memref<125x64xf32, #tpu.memory_space<vmem_shared>>
      %dma_wait3A_101 = arith.constant 0 : i32
      %dma_wait3A_102 = tpu.memref_slice %arg22[%add3A_79, %dma_wait3A_101] : memref<10000x64xf32, #tpu.memory_space<vmem_shared>> -> memref<125x64xf32, #tpu.memory_space<vmem_shared>>
      tpu.wait_dma2 semaphore(%run_scoped3A : memref<!tpu.dma_semaphore, #tpu.memory_space<semaphore_mem>>) src(%dma_wait3A_102 : memref<125x64xf32, #tpu.memory_space<vmem_shared>>) dst(%arg16 : memref<125x64xf32, #tpu.memory_space<vmem>>)
      tpu.yield
    }) : () -> ()
    "tpu.region"() ({
      %run_scoped3A = tpu.sem_alloc : memref<!tpu.dma_semaphore, #tpu.memory_space<semaphore_mem>>
      %dma_start3A_96 = arith.constant 0 : i32
      %dma_start3A_97 = tpu.memref_slice %arg6[%arg0, %add3A_79, %dma_start3A_96] : memref<2x10000x64xf32, #tpu.memory_space<hbm>> -> memref<1x125x64xf32, #tpu.memory_space<hbm>>
      %dma_start3A_98 = tpu.memref_squeeze %dma_start3A_97 : memref<1x125x64xf32, #tpu.memory_space<hbm>> -> memref<125x64xf32, #tpu.memory_space<hbm>>
      %dma_start3A_99 = arith.constant 0 : i32
      %dma_start3A_100 = tpu.memref_slice %arg6[%arg0, %add3A_79, %dma_start3A_99] : memref<2x10000x64xf32, #tpu.memory_space<hbm>> -> memref<1x125x64xf32, #tpu.memory_space<hbm>>
      %dma_start3A_101 = tpu.memref_squeeze %dma_start3A_100 : memref<1x125x64xf32, #tpu.memory_space<hbm>> -> memref<125x64xf32, #tpu.memory_space<hbm>>
      tpu.enqueue_dma source(%arg16 : memref<125x64xf32, #tpu.memory_space<vmem>>) target(%dma_start3A_101 : memref<125x64xf32, #tpu.memory_space<hbm>>) target_semaphore(%run_scoped3A : memref<!tpu.dma_semaphore, #tpu.memory_space<semaphore_mem>>)
      %dma_wait3A = arith.constant 0 : i32
      %dma_wait3A_102 = tpu.memref_slice %arg6[%arg0, %add3A_79, %dma_wait3A] : memref<2x10000x64xf32, #tpu.memory_space<hbm>> -> memref<1x125x64xf32, #tpu.memory_space<hbm>>
      %dma_wait3A_103 = tpu.memref_squeeze %dma_wait3A_102 : memref<1x125x64xf32, #tpu.memory_space<hbm>> -> memref<125x64xf32, #tpu.memory_space<hbm>>
      %dma_wait3A_104 = arith.constant 0 : i32
      %dma_wait3A_105 = tpu.memref_slice %arg6[%arg0, %add3A_79, %dma_wait3A_104] : memref<2x10000x64xf32, #tpu.memory_space<hbm>> -> memref<1x125x64xf32, #tpu.memory_space<hbm>>
      %dma_wait3A_106 = tpu.memref_squeeze %dma_wait3A_105 : memref<1x125x64xf32, #tpu.memory_space<hbm>> -> memref<125x64xf32, #tpu.memory_space<hbm>>
      tpu.wait_dma2 semaphore(%run_scoped3A : memref<!tpu.dma_semaphore, #tpu.memory_space<semaphore_mem>>) src(%arg16 : memref<125x64xf32, #tpu.memory_space<vmem>>) dst(%dma_wait3A_106 : memref<125x64xf32, #tpu.memory_space<hbm>>)
      tpu.yield
    }) : () -> ()
    %mul3A_80 = arith.constant 625 : i32
    %mul3A_81 = arith.muli %arg1, %mul3A_80 : i32
    %add3A_82 = arith.constant 250 : i32
    %add3A_83 = arith.addi %mul3A_81, %add3A_82 : i32
    "tpu.region"() ({
      %run_scoped3A = tpu.sem_alloc : memref<!tpu.dma_semaphore, #tpu.memory_space<semaphore_mem>>
      %dma_start3A_96 = arith.constant 0 : i32
      %dma_start3A_97 = tpu.memref_slice %arg22[%add3A_83, %dma_start3A_96] : memref<10000x64xf32, #tpu.memory_space<vmem_shared>> -> memref<125x64xf32, #tpu.memory_space<vmem_shared>>
      %dma_start3A_98 = arith.constant 0 : i32
      %dma_start3A_99 = tpu.memref_slice %arg22[%add3A_83, %dma_start3A_98] : memref<10000x64xf32, #tpu.memory_space<vmem_shared>> -> memref<125x64xf32, #tpu.memory_space<vmem_shared>>
      tpu.enqueue_dma source(%dma_start3A_99 : memref<125x64xf32, #tpu.memory_space<vmem_shared>>) target(%arg16 : memref<125x64xf32, #tpu.memory_space<vmem>>) target_semaphore(%run_scoped3A : memref<!tpu.dma_semaphore, #tpu.memory_space<semaphore_mem>>)
      %dma_wait3A = arith.constant 0 : i32
      %dma_wait3A_100 = tpu.memref_slice %arg22[%add3A_83, %dma_wait3A] : memref<10000x64xf32, #tpu.memory_space<vmem_shared>> -> memref<125x64xf32, #tpu.memory_space<vmem_shared>>
      %dma_wait3A_101 = arith.constant 0 : i32
      %dma_wait3A_102 = tpu.memref_slice %arg22[%add3A_83, %dma_wait3A_101] : memref<10000x64xf32, #tpu.memory_space<vmem_shared>> -> memref<125x64xf32, #tpu.memory_space<vmem_shared>>
      tpu.wait_dma2 semaphore(%run_scoped3A : memref<!tpu.dma_semaphore, #tpu.memory_space<semaphore_mem>>) src(%dma_wait3A_102 : memref<125x64xf32, #tpu.memory_space<vmem_shared>>) dst(%arg16 : memref<125x64xf32, #tpu.memory_space<vmem>>)
      tpu.yield
    }) : () -> ()
    "tpu.region"() ({
      %run_scoped3A = tpu.sem_alloc : memref<!tpu.dma_semaphore, #tpu.memory_space<semaphore_mem>>
      %dma_start3A_96 = arith.constant 0 : i32
      %dma_start3A_97 = tpu.memref_slice %arg6[%arg0, %add3A_83, %dma_start3A_96] : memref<2x10000x64xf32, #tpu.memory_space<hbm>> -> memref<1x125x64xf32, #tpu.memory_space<hbm>>
      %dma_start3A_98 = tpu.memref_squeeze %dma_start3A_97 : memref<1x125x64xf32, #tpu.memory_space<hbm>> -> memref<125x64xf32, #tpu.memory_space<hbm>>
      %dma_start3A_99 = arith.constant 0 : i32
      %dma_start3A_100 = tpu.memref_slice %arg6[%arg0, %add3A_83, %dma_start3A_99] : memref<2x10000x64xf32, #tpu.memory_space<hbm>> -> memref<1x125x64xf32, #tpu.memory_space<hbm>>
      %dma_start3A_101 = tpu.memref_squeeze %dma_start3A_100 : memref<1x125x64xf32, #tpu.memory_space<hbm>> -> memref<125x64xf32, #tpu.memory_space<hbm>>
      tpu.enqueue_dma source(%arg16 : memref<125x64xf32, #tpu.memory_space<vmem>>) target(%dma_start3A_101 : memref<125x64xf32, #tpu.memory_space<hbm>>) target_semaphore(%run_scoped3A : memref<!tpu.dma_semaphore, #tpu.memory_space<semaphore_mem>>)
      %dma_wait3A = arith.constant 0 : i32
      %dma_wait3A_102 = tpu.memref_slice %arg6[%arg0, %add3A_83, %dma_wait3A] : memref<2x10000x64xf32, #tpu.memory_space<hbm>> -> memref<1x125x64xf32, #tpu.memory_space<hbm>>
      %dma_wait3A_103 = tpu.memref_squeeze %dma_wait3A_102 : memref<1x125x64xf32, #tpu.memory_space<hbm>> -> memref<125x64xf32, #tpu.memory_space<hbm>>
      %dma_wait3A_104 = arith.constant 0 : i32
      %dma_wait3A_105 = tpu.memref_slice %arg6[%arg0, %add3A_83, %dma_wait3A_104] : memref<2x10000x64xf32, #tpu.memory_space<hbm>> -> memref<1x125x64xf32, #tpu.memory_space<hbm>>
      %dma_wait3A_106 = tpu.memref_squeeze %dma_wait3A_105 : memref<1x125x64xf32, #tpu.memory_space<hbm>> -> memref<125x64xf32, #tpu.memory_space<hbm>>
      tpu.wait_dma2 semaphore(%run_scoped3A : memref<!tpu.dma_semaphore, #tpu.memory_space<semaphore_mem>>) src(%arg16 : memref<125x64xf32, #tpu.memory_space<vmem>>) dst(%dma_wait3A_106 : memref<125x64xf32, #tpu.memory_space<hbm>>)
      tpu.yield
    }) : () -> ()
    %mul3A_84 = arith.constant 625 : i32
    %mul3A_85 = arith.muli %arg1, %mul3A_84 : i32
    %add3A_86 = arith.constant 375 : i32
    %add3A_87 = arith.addi %mul3A_85, %add3A_86 : i32
    "tpu.region"() ({
      %run_scoped3A = tpu.sem_alloc : memref<!tpu.dma_semaphore, #tpu.memory_space<semaphore_mem>>
      %dma_start3A_96 = arith.constant 0 : i32
      %dma_start3A_97 = tpu.memref_slice %arg22[%add3A_87, %dma_start3A_96] : memref<10000x64xf32, #tpu.memory_space<vmem_shared>> -> memref<125x64xf32, #tpu.memory_space<vmem_shared>>
      %dma_start3A_98 = arith.constant 0 : i32
      %dma_start3A_99 = tpu.memref_slice %arg22[%add3A_87, %dma_start3A_98] : memref<10000x64xf32, #tpu.memory_space<vmem_shared>> -> memref<125x64xf32, #tpu.memory_space<vmem_shared>>
      tpu.enqueue_dma source(%dma_start3A_99 : memref<125x64xf32, #tpu.memory_space<vmem_shared>>) target(%arg16 : memref<125x64xf32, #tpu.memory_space<vmem>>) target_semaphore(%run_scoped3A : memref<!tpu.dma_semaphore, #tpu.memory_space<semaphore_mem>>)
      %dma_wait3A = arith.constant 0 : i32
      %dma_wait3A_100 = tpu.memref_slice %arg22[%add3A_87, %dma_wait3A] : memref<10000x64xf32, #tpu.memory_space<vmem_shared>> -> memref<125x64xf32, #tpu.memory_space<vmem_shared>>
      %dma_wait3A_101 = arith.constant 0 : i32
      %dma_wait3A_102 = tpu.memref_slice %arg22[%add3A_87, %dma_wait3A_101] : memref<10000x64xf32, #tpu.memory_space<vmem_shared>> -> memref<125x64xf32, #tpu.memory_space<vmem_shared>>
      tpu.wait_dma2 semaphore(%run_scoped3A : memref<!tpu.dma_semaphore, #tpu.memory_space<semaphore_mem>>) src(%dma_wait3A_102 : memref<125x64xf32, #tpu.memory_space<vmem_shared>>) dst(%arg16 : memref<125x64xf32, #tpu.memory_space<vmem>>)
      tpu.yield
    }) : () -> ()
    "tpu.region"() ({
      %run_scoped3A = tpu.sem_alloc : memref<!tpu.dma_semaphore, #tpu.memory_space<semaphore_mem>>
      %dma_start3A_96 = arith.constant 0 : i32
      %dma_start3A_97 = tpu.memref_slice %arg6[%arg0, %add3A_87, %dma_start3A_96] : memref<2x10000x64xf32, #tpu.memory_space<hbm>> -> memref<1x125x64xf32, #tpu.memory_space<hbm>>
      %dma_start3A_98 = tpu.memref_squeeze %dma_start3A_97 : memref<1x125x64xf32, #tpu.memory_space<hbm>> -> memref<125x64xf32, #tpu.memory_space<hbm>>
      %dma_start3A_99 = arith.constant 0 : i32
      %dma_start3A_100 = tpu.memref_slice %arg6[%arg0, %add3A_87, %dma_start3A_99] : memref<2x10000x64xf32, #tpu.memory_space<hbm>> -> memref<1x125x64xf32, #tpu.memory_space<hbm>>
      %dma_start3A_101 = tpu.memref_squeeze %dma_start3A_100 : memref<1x125x64xf32, #tpu.memory_space<hbm>> -> memref<125x64xf32, #tpu.memory_space<hbm>>
      tpu.enqueue_dma source(%arg16 : memref<125x64xf32, #tpu.memory_space<vmem>>) target(%dma_start3A_101 : memref<125x64xf32, #tpu.memory_space<hbm>>) target_semaphore(%run_scoped3A : memref<!tpu.dma_semaphore, #tpu.memory_space<semaphore_mem>>)
      %dma_wait3A = arith.constant 0 : i32
      %dma_wait3A_102 = tpu.memref_slice %arg6[%arg0, %add3A_87, %dma_wait3A] : memref<2x10000x64xf32, #tpu.memory_space<hbm>> -> memref<1x125x64xf32, #tpu.memory_space<hbm>>
      %dma_wait3A_103 = tpu.memref_squeeze %dma_wait3A_102 : memref<1x125x64xf32, #tpu.memory_space<hbm>> -> memref<125x64xf32, #tpu.memory_space<hbm>>
      %dma_wait3A_104 = arith.constant 0 : i32
      %dma_wait3A_105 = tpu.memref_slice %arg6[%arg0, %add3A_87, %dma_wait3A_104] : memref<2x10000x64xf32, #tpu.memory_space<hbm>> -> memref<1x125x64xf32, #tpu.memory_space<hbm>>
      %dma_wait3A_106 = tpu.memref_squeeze %dma_wait3A_105 : memref<1x125x64xf32, #tpu.memory_space<hbm>> -> memref<125x64xf32, #tpu.memory_space<hbm>>
      tpu.wait_dma2 semaphore(%run_scoped3A : memref<!tpu.dma_semaphore, #tpu.memory_space<semaphore_mem>>) src(%arg16 : memref<125x64xf32, #tpu.memory_space<vmem>>) dst(%dma_wait3A_106 : memref<125x64xf32, #tpu.memory_space<hbm>>)
      tpu.yield
    }) : () -> ()
    %mul3A_88 = arith.constant 625 : i32
    %mul3A_89 = arith.muli %arg1, %mul3A_88 : i32
    %add3A_90 = arith.constant 500 : i32
    %add3A_91 = arith.addi %mul3A_89, %add3A_90 : i32
    "tpu.region"() ({
      %run_scoped3A = tpu.sem_alloc : memref<!tpu.dma_semaphore, #tpu.memory_space<semaphore_mem>>
      %dma_start3A_96 = arith.constant 0 : i32
      %dma_start3A_97 = tpu.memref_slice %arg22[%add3A_91, %dma_start3A_96] : memref<10000x64xf32, #tpu.memory_space<vmem_shared>> -> memref<125x64xf32, #tpu.memory_space<vmem_shared>>
      %dma_start3A_98 = arith.constant 0 : i32
      %dma_start3A_99 = tpu.memref_slice %arg22[%add3A_91, %dma_start3A_98] : memref<10000x64xf32, #tpu.memory_space<vmem_shared>> -> memref<125x64xf32, #tpu.memory_space<vmem_shared>>
      tpu.enqueue_dma source(%dma_start3A_99 : memref<125x64xf32, #tpu.memory_space<vmem_shared>>) target(%arg16 : memref<125x64xf32, #tpu.memory_space<vmem>>) target_semaphore(%run_scoped3A : memref<!tpu.dma_semaphore, #tpu.memory_space<semaphore_mem>>)
      %dma_wait3A = arith.constant 0 : i32
      %dma_wait3A_100 = tpu.memref_slice %arg22[%add3A_91, %dma_wait3A] : memref<10000x64xf32, #tpu.memory_space<vmem_shared>> -> memref<125x64xf32, #tpu.memory_space<vmem_shared>>
      %dma_wait3A_101 = arith.constant 0 : i32
      %dma_wait3A_102 = tpu.memref_slice %arg22[%add3A_91, %dma_wait3A_101] : memref<10000x64xf32, #tpu.memory_space<vmem_shared>> -> memref<125x64xf32, #tpu.memory_space<vmem_shared>>
      tpu.wait_dma2 semaphore(%run_scoped3A : memref<!tpu.dma_semaphore, #tpu.memory_space<semaphore_mem>>) src(%dma_wait3A_102 : memref<125x64xf32, #tpu.memory_space<vmem_shared>>) dst(%arg16 : memref<125x64xf32, #tpu.memory_space<vmem>>)
      tpu.yield
    }) : () -> ()
    "tpu.region"() ({
      %run_scoped3A = tpu.sem_alloc : memref<!tpu.dma_semaphore, #tpu.memory_space<semaphore_mem>>
      %dma_start3A_96 = arith.constant 0 : i32
      %dma_start3A_97 = tpu.memref_slice %arg6[%arg0, %add3A_91, %dma_start3A_96] : memref<2x10000x64xf32, #tpu.memory_space<hbm>> -> memref<1x125x64xf32, #tpu.memory_space<hbm>>
      %dma_start3A_98 = tpu.memref_squeeze %dma_start3A_97 : memref<1x125x64xf32, #tpu.memory_space<hbm>> -> memref<125x64xf32, #tpu.memory_space<hbm>>
      %dma_start3A_99 = arith.constant 0 : i32
      %dma_start3A_100 = tpu.memref_slice %arg6[%arg0, %add3A_91, %dma_start3A_99] : memref<2x10000x64xf32, #tpu.memory_space<hbm>> -> memref<1x125x64xf32, #tpu.memory_space<hbm>>
      %dma_start3A_101 = tpu.memref_squeeze %dma_start3A_100 : memref<1x125x64xf32, #tpu.memory_space<hbm>> -> memref<125x64xf32, #tpu.memory_space<hbm>>
      tpu.enqueue_dma source(%arg16 : memref<125x64xf32, #tpu.memory_space<vmem>>) target(%dma_start3A_101 : memref<125x64xf32, #tpu.memory_space<hbm>>) target_semaphore(%run_scoped3A : memref<!tpu.dma_semaphore, #tpu.memory_space<semaphore_mem>>)
      %dma_wait3A = arith.constant 0 : i32
      %dma_wait3A_102 = tpu.memref_slice %arg6[%arg0, %add3A_91, %dma_wait3A] : memref<2x10000x64xf32, #tpu.memory_space<hbm>> -> memref<1x125x64xf32, #tpu.memory_space<hbm>>
      %dma_wait3A_103 = tpu.memref_squeeze %dma_wait3A_102 : memref<1x125x64xf32, #tpu.memory_space<hbm>> -> memref<125x64xf32, #tpu.memory_space<hbm>>
      %dma_wait3A_104 = arith.constant 0 : i32
      %dma_wait3A_105 = tpu.memref_slice %arg6[%arg0, %add3A_91, %dma_wait3A_104] : memref<2x10000x64xf32, #tpu.memory_space<hbm>> -> memref<1x125x64xf32, #tpu.memory_space<hbm>>
      %dma_wait3A_106 = tpu.memref_squeeze %dma_wait3A_105 : memref<1x125x64xf32, #tpu.memory_space<hbm>> -> memref<125x64xf32, #tpu.memory_space<hbm>>
      tpu.wait_dma2 semaphore(%run_scoped3A : memref<!tpu.dma_semaphore, #tpu.memory_space<semaphore_mem>>) src(%arg16 : memref<125x64xf32, #tpu.memory_space<vmem>>) dst(%dma_wait3A_106 : memref<125x64xf32, #tpu.memory_space<hbm>>)
      tpu.yield
    }) : () -> ()
    %mul3A_92 = arith.constant 317 : i32
    %mul3A_93 = arith.muli %arg1, %mul3A_92 : i32
    "tpu.region"() ({
      %run_scoped3A = tpu.sem_alloc : memref<!tpu.dma_semaphore, #tpu.memory_space<semaphore_mem>>
      %dma_start3A_96 = arith.constant 0 : i32
      %dma_start3A_97 = tpu.memref_slice %arg23[%mul3A_93, %dma_start3A_96] : memref<5072x16xf32, #tpu.memory_space<vmem_shared>> -> memref<317x16xf32, #tpu.memory_space<vmem_shared>>
      %dma_start3A_98 = arith.constant 0 : i32
      %dma_start3A_99 = tpu.memref_slice %arg23[%mul3A_93, %dma_start3A_98] : memref<5072x16xf32, #tpu.memory_space<vmem_shared>> -> memref<317x16xf32, #tpu.memory_space<vmem_shared>>
      tpu.enqueue_dma source(%dma_start3A_99 : memref<317x16xf32, #tpu.memory_space<vmem_shared>>) target(%arg17 : memref<317x16xf32, #tpu.memory_space<vmem>>) target_semaphore(%run_scoped3A : memref<!tpu.dma_semaphore, #tpu.memory_space<semaphore_mem>>)
      %dma_wait3A = arith.constant 0 : i32
      %dma_wait3A_100 = tpu.memref_slice %arg23[%mul3A_93, %dma_wait3A] : memref<5072x16xf32, #tpu.memory_space<vmem_shared>> -> memref<317x16xf32, #tpu.memory_space<vmem_shared>>
      %dma_wait3A_101 = arith.constant 0 : i32
      %dma_wait3A_102 = tpu.memref_slice %arg23[%mul3A_93, %dma_wait3A_101] : memref<5072x16xf32, #tpu.memory_space<vmem_shared>> -> memref<317x16xf32, #tpu.memory_space<vmem_shared>>
      tpu.wait_dma2 semaphore(%run_scoped3A : memref<!tpu.dma_semaphore, #tpu.memory_space<semaphore_mem>>) src(%dma_wait3A_102 : memref<317x16xf32, #tpu.memory_space<vmem_shared>>) dst(%arg17 : memref<317x16xf32, #tpu.memory_space<vmem>>)
      tpu.yield
    }) : () -> ()
    %mul3A_94 = arith.constant 317 : i32
    %mul3A_95 = arith.muli %arg1, %mul3A_94 : i32
    "tpu.region"() ({
      %run_scoped3A = tpu.sem_alloc : memref<!tpu.dma_semaphore, #tpu.memory_space<semaphore_mem>>
      %dma_start3A_96 = arith.constant 0 : i32
      %dma_start3A_97 = tpu.memref_slice %arg7[%arg0, %mul3A_95, %dma_start3A_96] : memref<2x5072x16xf32, #tpu.memory_space<hbm>> -> memref<1x317x16xf32, #tpu.memory_space<hbm>>
      %dma_start3A_98 = tpu.memref_squeeze %dma_start3A_97 : memref<1x317x16xf32, #tpu.memory_space<hbm>> -> memref<317x16xf32, #tpu.memory_space<hbm>>
      %dma_start3A_99 = arith.constant 0 : i32
      %dma_start3A_100 = tpu.memref_slice %arg7[%arg0, %mul3A_95, %dma_start3A_99] : memref<2x5072x16xf32, #tpu.memory_space<hbm>> -> memref<1x317x16xf32, #tpu.memory_space<hbm>>
      %dma_start3A_101 = tpu.memref_squeeze %dma_start3A_100 : memref<1x317x16xf32, #tpu.memory_space<hbm>> -> memref<317x16xf32, #tpu.memory_space<hbm>>
      tpu.enqueue_dma source(%arg17 : memref<317x16xf32, #tpu.memory_space<vmem>>) target(%dma_start3A_101 : memref<317x16xf32, #tpu.memory_space<hbm>>) target_semaphore(%run_scoped3A : memref<!tpu.dma_semaphore, #tpu.memory_space<semaphore_mem>>)
      %dma_wait3A = arith.constant 0 : i32
      %dma_wait3A_102 = tpu.memref_slice %arg7[%arg0, %mul3A_95, %dma_wait3A] : memref<2x5072x16xf32, #tpu.memory_space<hbm>> -> memref<1x317x16xf32, #tpu.memory_space<hbm>>
      %dma_wait3A_103 = tpu.memref_squeeze %dma_wait3A_102 : memref<1x317x16xf32, #tpu.memory_space<hbm>> -> memref<317x16xf32, #tpu.memory_space<hbm>>
      %dma_wait3A_104 = arith.constant 0 : i32
      %dma_wait3A_105 = tpu.memref_slice %arg7[%arg0, %mul3A_95, %dma_wait3A_104] : memref<2x5072x16xf32, #tpu.memory_space<hbm>> -> memref<1x317x16xf32, #tpu.memory_space<hbm>>
      %dma_wait3A_106 = tpu.memref_squeeze %dma_wait3A_105 : memref<1x317x16xf32, #tpu.memory_space<hbm>> -> memref<317x16xf32, #tpu.memory_space<hbm>>
      tpu.wait_dma2 semaphore(%run_scoped3A : memref<!tpu.dma_semaphore, #tpu.memory_space<semaphore_mem>>) src(%arg17 : memref<317x16xf32, #tpu.memory_space<vmem>>) dst(%dma_wait3A_106 : memref<317x16xf32, #tpu.memory_space<hbm>>)
      tpu.yield
    }) : () -> ()
    return
  }
}

module attributes {stable_mosaic.version = 14 : i64} {
  func.func @_combine_kernel(%arg0: i32, %arg1: memref<1000x128xf32, #tpu.memory_space<vmem>>, %arg2: memref<2x1000x64xf32, #tpu.memory_space<vmem>>, %arg3: memref<1x1000x16xf32, #tpu.memory_space<vmem>>, %arg4: memref<256x128xf32, #tpu.memory_space<vmem>>, %arg5: memref<1x128xf32, #tpu.memory_space<vmem>>, %arg6: memref<1000x128xf32, #tpu.memory_space<vmem>>) attributes {dimension_semantics = [#tpu.dimension_semantics<arbitrary>], iteration_bounds = array<i64: 10>, scalar_prefetch = 0 : i64, scratch_operands = 0 : i64, tpu.core_type = #tpu.core_type<tc>, window_params = [{transform_indices = @transform_0, window_bounds = array<i64: 1000, 128>}, {transform_indices = @transform_1, window_bounds = array<i64: 2, 1000, 64>}, {transform_indices = @transform_2, window_bounds = array<i64: 1, 1000, 16>}, {pipeline_mode = #tpu.pipeline_mode<synchronous>, transform_indices = @transform_3, window_bounds = array<i64: 256, 128>}, {pipeline_mode = #tpu.pipeline_mode<synchronous>, transform_indices = @transform_4, window_bounds = array<i64: 1, 128>}, {transform_indices = @transform_5, window_bounds = array<i64: 1000, 128>}]} {
    %get3A = arith.constant 0 : index
    %get3A_0 = arith.constant 0 : index
    %get3A_1 = arith.constant 0 : index
    %get3A_2 = vector.load %arg2[%get3A, %get3A_0, %get3A_1] : memref<2x1000x64xf32, #tpu.memory_space<vmem>>, vector<1x1000x64xf32>
    %get3A_3 = vector.shape_cast %get3A_2 : vector<1x1000x64xf32> to vector<1000x64xf32>
    %get3A_4 = arith.constant 1 : index
    %get3A_5 = arith.constant 0 : index
    %get3A_6 = arith.constant 0 : index
    %get3A_7 = vector.load %arg2[%get3A_4, %get3A_5, %get3A_6] : memref<2x1000x64xf32, #tpu.memory_space<vmem>>, vector<1x1000x64xf32>
    %get3A_8 = vector.shape_cast %get3A_7 : vector<1x1000x64xf32> to vector<1000x64xf32>
    %concatenate3A = tpu.concatenate %get3A_3, %get3A_8 in 1 : vector<1000x64xf32>, vector<1000x64xf32> -> vector<1000x128xf32>
    %get3A_9 = arith.constant 0 : index
    %get3A_10 = arith.constant 0 : index
    %get3A_11 = arith.constant 0 : index
    %get3A_12 = vector.load %arg3[%get3A_9, %get3A_10, %get3A_11] : memref<1x1000x16xf32, #tpu.memory_space<vmem>>, vector<1x1000x16xf32>
    %get3A_13 = vector.shape_cast %get3A_12 : vector<1x1000x16xf32> to vector<1000x16xf32>
    %slice3A = vector.extract_strided_slice %get3A_13 {offsets = [0, 0], sizes = [1000, 1], strides = [1, 1]} : vector<1000x16xf32> to vector<1000x1xf32>
    %max3A = arith.constant 1.000000e+00 : f32
    %max3A_14 = vector.broadcast %max3A : f32 to vector<1000x1xf32>
    %max3A_15 = arith.maximumf %slice3A, %max3A_14 : vector<1000x1xf32>
    %div3A = vector.broadcast %max3A_15 : vector<1000x1xf32> to vector<1000x128xf32>
    %div3A_16 = arith.divf %concatenate3A, %div3A : vector<1000x128xf32>
    %get3A_17 = arith.constant 0 : index
    %get3A_18 = arith.constant 0 : index
    %get3A_19 = vector.load %arg1[%get3A_17, %get3A_18] : memref<1000x128xf32, #tpu.memory_space<vmem>>, vector<1000x128xf32>
    %get3A_20 = arith.constant 0 : index
    %get3A_21 = arith.constant 0 : index
    %get3A_22 = vector.load %arg4[%get3A_20, %get3A_21] : memref<256x128xf32, #tpu.memory_space<vmem>>, vector<128x128xf32>
    %dot_general3A = arith.constant dense<0.000000e+00> : vector<1000x128xf32>
    %dot_general3A_23 = tpu.matmul %get3A_19, %get3A_22, %dot_general3A {dimension_numbers = #tpu.dot_dimension_numbers<[1], [0], [0], [1], [0, 0, 1, 1], [], []>, transpose_lhs_hint = false} : vector<1000x128xf32>, vector<128x128xf32>, vector<1000x128xf32> -> vector<1000x128xf32>
    %get3A_24 = arith.constant 128 : index
    %get3A_25 = arith.constant 0 : index
    %get3A_26 = vector.load %arg4[%get3A_24, %get3A_25] : memref<256x128xf32, #tpu.memory_space<vmem>>, vector<128x128xf32>
    %dot_general3A_27 = arith.constant dense<0.000000e+00> : vector<1000x128xf32>
    %dot_general3A_28 = tpu.matmul %div3A_16, %get3A_26, %dot_general3A_27 {dimension_numbers = #tpu.dot_dimension_numbers<[1], [0], [0], [1], [0, 0, 1, 1], [], []>, transpose_lhs_hint = false} : vector<1000x128xf32>, vector<128x128xf32>, vector<1000x128xf32> -> vector<1000x128xf32>
    %add3A = arith.addf %dot_general3A_23, %dot_general3A_28 : vector<1000x128xf32>
    %get3A_29 = arith.constant 0 : index
    %get3A_30 = arith.constant 0 : index
    %get3A_31 = vector.load %arg5[%get3A_29, %get3A_30] : memref<1x128xf32, #tpu.memory_space<vmem>>, vector<1x128xf32>
    %add3A_32 = vector.broadcast %get3A_31 : vector<1x128xf32> to vector<1000x128xf32>
    %add3A_33 = arith.addf %add3A, %add3A_32 : vector<1000x128xf32>
    %swap3A = arith.constant 0 : index
    %swap3A_34 = arith.constant 0 : index
    %swap3A_35 = vector.load %arg6[%swap3A, %swap3A_34] : memref<1000x128xf32, #tpu.memory_space<vmem>>, vector<1000x128xf32>
    tpu.vector_store %arg6[%swap3A, %swap3A_34], %add3A_33 {strides = array<i32>} : memref<1000x128xf32, #tpu.memory_space<vmem>>, vector<1000x128xf32>,
    return
  }
  func.func @transform_0(%arg0: i32) -> (i32, i32) {
    %c0_i32 = arith.constant 0 : i32
    %c0_i32_0 = arith.constant 0 : i32
    return %arg0, %c0_i32 : i32, i32
  }
  func.func @transform_1(%arg0: i32) -> (i32, i32, i32) {
    %c0_i32 = arith.constant 0 : i32
    %c0_i32_0 = arith.constant 0 : i32
    %c0_i32_1 = arith.constant 0 : i32
    return %c0_i32, %arg0, %c0_i32_0 : i32, i32, i32
  }
  func.func @transform_2(%arg0: i32) -> (i32, i32, i32) {
    %jit3A = arith.constant 5 : i32
    %div3A = arith.divsi %arg0, %jit3A : i32
    %sign3A = arith.constant 0 : i32
    %sign3A_0 = arith.cmpi sgt, %arg0, %sign3A : i32
    %sign3A_1 = arith.extui %sign3A_0 : i1 to i32
    %sign3A_2 = arith.constant 0 : i32
    %sign3A_3 = arith.cmpi slt, %arg0, %sign3A_2 : i32
    %sign3A_4 = arith.extui %sign3A_3 : i1 to i32
    %sign3A_5 = arith.subi %sign3A_1, %sign3A_4 : i32
    %sign3A_6 = arith.constant 0 : i32
    %sign3A_7 = arith.cmpi sgt, %jit3A, %sign3A_6 : i32
    %sign3A_8 = arith.extui %sign3A_7 : i1 to i32
    %sign3A_9 = arith.constant 0 : i32
    %sign3A_10 = arith.cmpi slt, %jit3A, %sign3A_9 : i32
    %sign3A_11 = arith.extui %sign3A_10 : i1 to i32
    %sign3A_12 = arith.subi %sign3A_8, %sign3A_11 : i32
    %ne3A = arith.cmpi ne, %sign3A_5, %sign3A_12 : i32
    %rem3A = arith.remsi %arg0, %jit3A : i32
    %ne3A_13 = arith.constant 0 : i32
    %ne3A_14 = arith.cmpi ne, %rem3A, %ne3A_13 : i32
    %and3A = arith.andi %ne3A, %ne3A_14 : i1
    %sub3A = arith.constant 1 : i32
    %sub3A_15 = arith.subi %div3A, %sub3A : i32
    %select_n3A = arith.select %and3A, %sub3A_15, %div3A : i32
    %jit3A_16 = arith.constant 5 : i32
    %eq3A = arith.constant 0 : i32
    %eq3A_17 = arith.cmpi eq, %jit3A_16, %eq3A : i32
    %jit3A_18 = arith.constant 1 : i32
    %select_n3A_19 = arith.select %eq3A_17, %jit3A_18, %jit3A_16 : i32
    %rem3A_20 = arith.remsi %arg0, %select_n3A_19 : i32
    %ne3A_21 = arith.constant 0 : i32
    %ne3A_22 = arith.cmpi ne, %rem3A_20, %ne3A_21 : i32
    %lt3A = arith.constant 0 : i32
    %lt3A_23 = arith.cmpi slt, %rem3A_20, %lt3A : i32
    %lt3A_24 = arith.constant 0 : i32
    %lt3A_25 = arith.cmpi slt, %select_n3A_19, %lt3A_24 : i32
    %ne3A_26 = arith.xori %lt3A_23, %lt3A_25 : i1
    %and3A_27 = arith.andi %ne3A_26, %ne3A_22 : i1
    %add3A = arith.addi %rem3A_20, %select_n3A_19 : i32
    %select_n3A_28 = arith.select %and3A_27, %add3A, %rem3A_20 : i32
    %c0_i32 = arith.constant 0 : i32
    %c0_i32_29 = arith.constant 0 : i32
    return %select_n3A, %select_n3A_28, %c0_i32 : i32, i32, i32
  }
  func.func @transform_3(%arg0: i32) -> (i32, i32) {
    %c0_i32 = arith.constant 0 : i32
    %c0_i32_0 = arith.constant 0 : i32
    %c0_i32_1 = arith.constant 0 : i32
    return %c0_i32, %c0_i32_0 : i32, i32
  }
  func.func @transform_4(%arg0: i32) -> (i32, i32) {
    %c0_i32 = arith.constant 0 : i32
    %c0_i32_0 = arith.constant 0 : i32
    %c0_i32_1 = arith.constant 0 : i32
    return %c0_i32, %c0_i32_0 : i32, i32
  }
  func.func @transform_5(%arg0: i32) -> (i32, i32) {
    %c0_i32 = arith.constant 0 : i32
    %c0_i32_0 = arith.constant 0 : i32
    return %arg0, %c0_i32 : i32, i32
  }
}

</mosaic_0001>

<sc_bundles>
// kernel: kernel.4.cloned.1.call-start
scs
__scs_entry_jumppad:
0x0: {  	(pc) =	sbr.rel $0x88, $3  }
0x1: {  	(tag) =	ssettag $0x0;
	lr =	simm.s32 $0x1  }
0x2: {  	[smem:$0x3F9C] =	sst lr;
	_ =	strace $0xD0000000  }
0x3: {  	_ = 	snop  }
0x4: {  	_ = 	snop  }
0x5: {  	_ = 	snop  }
0x6: {  	_ = 	snop  }
0x7: {  	_ = 	snop  }
__scs_overlays_trampoline_lowered:
0x8: {  	[smem:$0x3FAB] =	sst s0  }
0x9: {  	[smem:$0x3FAC] =	sst s1  }
0xa: {  	[smem:$0x3FAD] =	sst s2  }
0xb: {  	[smem:$0x3FAE] =	sst s3  }
0xc: {  	[smem:$0x3FAF] =	sst s4  }
0xd: {  	[smem:$0x3FB0] =	sst s5  }
0xe: {  	[smem:$0x3FB1] =	sst s6  }
0xf: {  	[smem:$0x3FB2] =	sst s7  }
0x10: {  	[smem:$0x3FB3] =	sst s8  }
0x11: {  	[smem:$0x3FB4] =	sst s9;
	s0 =	simm.s32 @!p0 $0x0  }
0x12: {  	s1 =	sld [smem:$0x3F9A];
	s0 =	simm.s32 @p0 $0x1  }
0x13: {  	[smem:$0x3FB5] =	sst s0;
	s0 =	simm.s32 @!p1 $0x0  }
0x14: {  	s2 =	sld [smem:$0x3F99];
	s0 =	simm.s32 @p1 $0x1  }
0x15: {  	[smem:$0x3FB6] =	sst s0;
	s0 =	simm.s32 @!p2 $0x0  }
0x16: {  	s3 =	sld [smem:$0x3FDB];
	s0 =	simm.s32 @p2 $0x1  }
0x17: {  	s4 =	simm.s32 $0x1BF5;
	[smem:$0x3FB8] =	sst s0  }
0x18: {  	s0 =	sld [smem:$0x3F9B];
	_ =	swait.ge [sflag:s4], $0x0  }
0x19: {  	s7 =	sld [smem:$0x3F9C]  }
0x1a: {  	s8 =	sadd.s32 $0xFFFFE003, lr  }
0x1b: {  	s9 =	sadd.s32 $0xFFFFFEF7, lr;
	s5 =	simm.s32 $0xFFFFFFFF;
	p2 =	slt.u32 s8, $0xFFFFF086  }
0x1c: {  	p1 =	slt.u32 s9, $0xF7A;
	s5 =	simm.s32 @!p2 $0x0  }
0x1d: {  	s5 =	simm.s32 @p1 $0x1;
	p0 =	seq.s32 s7, s2  }
0x1e: {  	s7 =	smul.u32 @!p0 $0xF7A, s2;
	p2 =	seq.s32 @!p0 s5, $0x0  }
0x1f: {  	s9 =	smul.u32 $0xF7A, s1;
	s8 =	simm.s32 @!p0 $0x1BF5;
	p2 =	por !p2, p0  }
0x20: {  	[sflag:s8] =	ssyncset.s32 @!p0 $0xFFFFF086;
	s6 =	sadd.s32 @!p0 s3, s7;
	s7 =	simm.s32 @!p0 $0x108  }
0x21: {  	s3 =	sadd.s32 s3, s9;
	s6 =	sadd.s32 @!p0 $0x88, s6;
	s7 =	simm.s32 @p2 $0x1082  }
0x22: {  	[simem:s7], [sflag:s8] =	dma.local @!p0 [hbm:s6], $0xF7A  }
0x23: {  	s9 =	sor.u32 $0xD0000000, s2;
	s6 =	simm.s32 $0x108;
	_ =	swait.ge @!p0 [sflag:s8], $0x0  }
0x24: {  	s3 =	sadd.s32 $0x88, s3;
	s6 =	simm.s32 @!p1 $0x1082;
	[sflag:s4] =	ssyncset.s32 $0xFFFFF086  }
0x25: {  	[simem:s6], [sflag:s4] =	dma.local [hbm:s3], $0xF7A  }
0x26: {  	[smem:$0x3F9C] =	sst s1;
	(tag) =	ssettag s2;
	_ =	strace s9  }
0x27: {  	s1 =	sld [smem:$0x3FAC]  }
0x28: {  	s2 =	sld [smem:$0x3FAD]  }
0x29: {  	s4 =	sld [smem:$0x3FAF]  }
0x2a: {  	p0 =	seq.s32 s5, $0x0;
	s5 =	sld [smem:$0x3FB0]  }
0x2b: {  	s6 =	sld [smem:$0x3FB1]  }
0x2c: {  	s7 =	sld [smem:$0x3FB2]  }
0x2d: {  	s3 =	simm.s32 $0x108;
	s8 =	sld [smem:$0x3FB3]  }
0x2e: {  	s3 =	simm.s32 @!p0 $0x1082;
	s9 =	sld [smem:$0x3FB4]  }
0x2f: {  	lr =	sadd.s32 s0, s3;
	s0 =	sld [smem:$0x3FAB]  }
0x30: {  	s3 =	sld [smem:$0x3FAE]  }
0x31: {  	[smem:$0x3FB7] =	sst s10  }
0x32: {  	s10 =	sld [smem:$0x3FB5];
	_ =	sdelay $0x3  }
0x33: {  	p0 =	seq.s32 s10, $0x1;
	s10 =	sld [smem:$0x3FB7];
	_ =	sdelay $0x3  }
0x34: {  	[smem:$0x3FB7] =	sst s10  }
0x35: {  	s10 =	sld [smem:$0x3FB6];
	_ =	sdelay $0x3  }
0x36: {  	p1 =	seq.s32 s10, $0x1;
	s10 =	sld [smem:$0x3FB7];
	_ =	sdelay $0x3  }
0x37: {  	[smem:$0x3FB7] =	sst s10  }
0x38: {  	s10 =	sld [smem:$0x3FB8]  }
0x39: {  	_ = 	snop;
	(pc) =	sbr.ind lr, $3  }
0x3a: {  	_ = 	snop  }
0x3b: {  	_ = 	snop  }
0x3c: {  	p2 =	seq.s32 s10, $0x1;
	s10 =	sld [smem:$0x3FB7]  }
0x3d: {  	_ =	shalt  }
0x3e: {  	_ =	shalt  }
0x3f: {  	_ =	shalt  }
0x40: {  	_ =	shalt  }
0x41: {  	_ =	shalt  }
0x42: {  	_ =	shalt  }
0x43: {  	_ =	shalt  }
0x44: {  	_ =	shalt  }
0x45: {  	_ =	shalt  }
0x46: {  	_ =	shalt  }
0x47: {  	_ =	shalt  }
0x48: {  	_ =	shalt  }
0x49: {  	_ =	shalt  }
0x4a: {  	_ =	shalt  }
0x4b: {  	_ =	shalt  }
0x4c: {  	_ =	shalt  }
0x4d: {  	_ =	shalt  }
0x4e: {  	_ =	shalt  }
0x4f: {  	_ =	shalt  }
0x50: {  	_ =	shalt  }
0x51: {  	_ =	shalt  }
0x52: {  	_ =	shalt  }
0x53: {  	_ =	shalt  }
0x54: {  	_ =	shalt  }
0x55: {  	_ =	shalt  }
0x56: {  	_ =	shalt  }
0x57: {  	_ =	shalt  }
0x58: {  	_ =	shalt  }
0x59: {  	_ =	shalt  }
0x5a: {  	_ =	shalt  }
0x5b: {  	_ =	shalt  }
0x5c: {  	_ =	shalt  }
0x5d: {  	_ =	shalt  }
0x5e: {  	_ =	shalt  }
0x5f: {  	_ =	shalt  }
0x60: {  	_ =	shalt  }
0x61: {  	_ =	shalt  }
0x62: {  	_ =	shalt  }
0x63: {  	_ =	shalt  }
0x64: {  	_ =	shalt  }
0x65: {  	_ =	shalt  }
0x66: {  	_ =	shalt  }
0x67: {  	_ =	shalt  }
0x68: {  	_ =	shalt  }
0x69: {  	_ =	shalt  }
0x6a: {  	_ =	shalt  }
0x6b: {  	_ =	shalt  }
0x6c: {  	_ =	shalt  }
0x6d: {  	_ =	shalt  }
0x6e: {  	_ =	shalt  }
0x6f: {  	_ =	shalt  }
0x70: {  	_ =	shalt  }
0x71: {  	_ =	shalt  }
0x72: {  	_ =	shalt  }
0x73: {  	_ =	shalt  }
0x74: {  	_ =	shalt  }
0x75: {  	_ =	shalt  }
0x76: {  	_ =	shalt  }
0x77: {  	_ =	shalt  }
0x78: {  	_ =	shalt  }
0x79: {  	_ =	shalt  }
0x7a: {  	_ =	shalt  }
0x7b: {  	_ =	shalt  }
0x7c: {  	_ =	shalt  }
0x7d: {  	_ =	shalt  }
0x7e: {  	_ =	shalt  }
0x7f: {  	_ =	shalt  }
0x80: {  	_ =	shalt  }
0x81: {  	_ =	shalt  }
0x82: {  	_ =	shalt  }
0x83: {  	_ =	shalt  }
0x84: {  	_ =	shalt  }
0x85: {  	_ =	shalt  }
0x86: {  	_ =	shalt  }
0x87: {  	_ =	shalt  }
.Lfunc_end0:
.L_simem_size_0:
called_computation_lowered:
.L_overlay_start_0:
0x88: {  	s2 =	sld [smem:$0x3FD9]  }
0x89: {  	s3 =	sld [smem:$0x3FFE];
	_ =	sdelay $0x1  }
0x8a: {  	s1 =	srdreg.scid  }
0x8b: {  	s0 =	sand.u32 $0x1, s1  }
0x8c: {  	s17 =	sshll.u32 s0, $0xA;
	s2 =	sadd.s32 s3, s2  }
0x8d: {  	s2 =	sadd.s32 s2, s17  }
0x8e: {  	[smem:$0x3FC3] =	sst s2  }
0x8f: {  	_ = 	snop  }
0x90: {  	s2 =	sld [smem:$0x3FD0];
	(tm) =	ssettm $0x1  }
0x91: {  	s18 =	sld [smem:$0x3FFB];
	_ =	sdelay $0x3  }
0x92: {  	_ =	strace s18  }
0x93: {  	s3 =	sld [smem:$0x3FFC];
	_ =	sdelay $0x3  }
0x94: {  	_ =	strace s3  }
0x95: {  	s3 =	sld [smem:$0x3FFD];
	_ =	sdelay $0x3  }
0x96: {  	_ =	strace s3  }
0x97: {  	_ =	strace $0x8FFFFFFF  }
0x98: {  	s19 =	sld [smem:$0x3FDB];
	_ =	sdelay $0x1  }
0x99: {  	s4 =	simm.s32 $_scs_section_size  }
0x9a: {  	s5 =	simm.s32 $_size__tile_overlayer_lowered;
	s6 =	simm.s32 $_tile_overlayer_lowered  }
0x9b: {  	s22 =	simm.s32 $0x1BFF;
	s21 =	sshll.u32 s6, $0x1;
	s3 =	sadd.s32 s4, s19  }
0x9c: {  	s7 =	simm.s32 $0x0;
	s20 =	sshll.u32 s5, $0x1;
	s5 =	sadd.s32 s21, s3  }
0x9d: {  	[timem:s7], [sflag:s22] =	dma.local [hbm:s5], s20  }
0x9e: {  	_ =	swait.ge [sflag:s22], s20  }
0x9f: {  	s4 =	ssub.s32 $0x0, s20;
	[sflag:s22] =	ssyncset.done $0x0  }
0xa0: {  	[sflag:s22] =	ssyncadd.s32 s4;
	_ =	sdelay $0x1  }
0xa1: {  	s23 =	simm.s32 $0x1B8B  }
0xa2: {  	_ =	swait.ge [sflag:s23], $0x1  }
0xa3: {  	[sflag:s23] =	ssyncset.done $0x0  }
0xa4: {  	s25 =	simm.s32 $0x1B8E;
	s24 =	sld [smem:$0x3FFE];
	[sflag:s23] =	ssyncadd.s32 $0xFFFFFFFF  }
0xa5: {  	s26 =	simm.s32 $execute0_lowered;
	[smem:$0x3FD2] =	sst s25  }
0xa6: {  	s5 =	sshll.u32 s26, $0x1;
	_ =	strace $0x80000046;
	[dreg:$0x1] =	wrdreg $0xFFFFFFFF  }
0xa7: {  	s28 =	simm.s32 $_size_execute0_lowered;
	s3 =	sadd.s32 s3, s5;
	[dreg:$0x0] =	wrdreg $0x0  }
0xa8: {  	s5 =	sshll.u32 s28, $0x1;
	[dreg:$0x2] =	wrdreg s3  }
0xa9: {  	[dreg:$0x3] =	wrdreg s5  }
0xaa: {  	[dreg:$0x4] =	wrdreg $0xC0  }
0xab: {  	_ =	task [dreg:s7], $0x5FFFF  }
0xac: {  	[dreg:$0x1] =	wrdreg $0xFFFFFFFF  }
0xad: {  	[dreg:$0x0] =	wrdreg $0x60  }
0xae: {  	[dreg:$0x2] =	wrdreg s24  }
0xaf: {  	[dreg:$0x3] =	wrdreg s2  }
0xb0: {  	[dreg:$0x4] =	wrdreg $0x14AC00  }
0xb1: {  	[dreg:$0x5] =	wrdreg $0x1E7000  }
0xb2: {  	[dreg:$0x6] =	wrdreg $0x9  }
0xb3: {  	_ =	task.clear_ibuf [dreg:s7], $0x7FFFF;
	_ =	strace $0x90000046  }
0xb4: {  	s29 =	simm.s32 $0x9;
	_ =	strace $0x80000048  }
0xb5: {  	_ =	swait.ge [sflag:s29], $0x1  }
0xb6: {  	[sflag:s29] =	ssyncadd.s32 $0xFFFFFFFF  }
0xb7: {  	_ =	strace $0x90000048  }
0xb8: {  	_ =	sfence  }
0xb9: {  	s30 =	sld [smem:$0x0];
	_ =	sdelay $0x2  }
0xba: {  	s31 =	sshll.u32 s1, $0xD;
	s1 =	sshrl.u32 s1, $0x2  }
0xbb: {  	s3 =	sand.u32 $0x4000, s31;
	s1 =	sadd.s32 s1, s30  }
0xbc: {  	s0 =	sor.u32 s3, s0;
	s1 =	sshll.u32 s1, $0x11  }
0xbd: {  	s0 =	sor.u32 s1, s0  }
0xbe: {  	s0 =	sadd.s32 $0x8F2B, s0  }
0xbf: {  	[sflag:s0] =	ssyncadd.remote.s32 $0x1  }
0xc0: {  	_ =	sfence.sel $0xFFFF  }
0xc1: {  	[dreg:$0x0] =	wrdreg $0xFFFFFFFF;
	(pc) =	sbr.abs _section_cstart, $3  }
0xc2: {  	[dreg:$0x1] =	wrdreg $0xFFFFFFFF  }
0xc3: {  	_ =	task.clear_ibuf [dreg:s7], $0x2FFFF;
	_ =	strace $0x9FFFFFFF  }
0xc4: {  	(tm) =	ssettm $0x7FFFFFFF  }
0xc5: {  	_ =	shalt  }
tec
execute0_lowered:
.L_overlay_start_1:
0x0: {  	(tag) =	ssettag $0x1  }
0x1: {  	s0 =	rddreg [dreg:$0x0]  }
0x2: {  	s1 =	rddreg [dreg:$0x1]  }
0x3: {  	s3 =	srdreg.scid;
	s13 =	stileid.u32  }
0x4: {  	s2 =	rddreg [dreg:$0x2];
	s7 =	smul.u32 $0x4E20, s13  }
0x5: {  	s4 =	simm.s32 $0x0;
	s28 =	simm.s32 $0x28;
	s8 =	smul.u32 $0x13D0, s13  }
0x6: {  	s31 =	simm.s32 $0xF4B0;
	s6 =	sand.u32 $0x1, s3;
	s14 =	smul.u32 $0x9C40, s13  }
0x7: {  	s29 =	simm.s32 $0x1;
	s3 =	rddreg [dreg:$0x3];
	s5 =	smul.u32 $0x4E200, s6  }
0x8: {  	s30 =	simm.s32 $0x2;
	[smem:$0x7FF] =	sst s4;
	s10 =	smul.u32 $0x13D00, s6  }
0x9: {  	_ =	strace $0x80000047;
	s11 =	ssub.s32 $0x2, s6;
	s18 =	smul.u32 $0x9C400, s6  }
0xa: {  	s15 =	smul.u32 $0x1388, s6;
	s12 =	sshrl.u32 s11, $0x1;
	s16 =	sadd.s32 $0x1F40, s14  }
0xb: {  	s25 =	sadd.s32 $0x3E80, s14;
	s17 =	sadd.s32 $0x5DC0, s14;
	s19 =	sadd.s32 $0x7D00, s14  }
0xc: {  	s5 =	sadd.s32 s7, s5;
	s7 =	sshrl.u32 s7, $0x3;
	s10 =	sadd.s32 s8, s10  }
0xd: {  	s21 =	ssub.s32 s11, s12;
	s11 =	sadd.s32 s25, s2;
	s12 =	sadd.s32 s17, s2  }
0xe: {  	s13 =	sadd.s32 s19, s2;
	s20 =	sadd.s32 s14, s18;
	s22 =	sadd.s32 s18, s25  }
0xf: {  	s23 =	sadd.s32 s18, s17;
	v0 =	vmov s15;
	s15 =	simm.s32 $0x0;
	s9 =	sshrl.u32 s5, $0x3  }
0x10: {  	s5 =	sadd.s32 $0xA00, s0;
	s10 =	sshrl.u32 s10, $0x3;
	s7 =	sadd.s32 s7, s0  }
0x11: {  	s26 =	sshrl.u32 s20, $0x3;
	s6 =	sshrl.u32 s22, $0x3;
	s22 =	simm.s32 $0x5  }
0x12: {  	s9 =	sadd.s32 s9, s0;
	s0 =	sadd.s32 s10, s0;
	s24 =	sadd.s32 $0x14400, s7  }
0x13: {  	s7 =	sadd.s32 $0x31C00, s7;
	s10 =	sadd.s32 s16, s2;
	s16 =	sadd.s32 s18, s16  }
0x14: {  	s6 =	sadd.s32 s1, s6;
	s9 =	sadd.s32 $0x1E200, s9;
	[dreg:$0x6] =	wrdreg s24  }
0x15: {  	[dreg:$0x7] =	wrdreg s7;
	s16 =	sshrl.u32 s16, $0x3;
	s24 =	sadd.s32 s18, s19  }
0x16: {  	s7 =	sshrl.u32 s23, $0x3;
	[dreg:$0xa] =	wrdreg s6;
	s0 =	sadd.s32 $0x3BA00, s0  }
0x17: {  	s19 =	simm.s32 $0x136F0;
	[dreg:$0x5] =	wrdreg s9;
	s9 =	sadd.s32 s14, s2  }
0x18: {  	s14 =	sadd.s32 s8, s3;
	s8 =	sadd.s32 s1, s26;
	[dreg:$0xd] =	wrdreg s0  }
0x19: {  	s23 =	simm.s32 $0xEA60;
	s20 =	sadd.s32 s1, s16;
	[dreg:$0x8] =	wrdreg s8  }
0x1a: {  	s6 =	simm.s32 $0xFEB0;
	s25 =	sadd.s32 s1, s7;
	[dreg:$0x9] =	wrdreg s20  }
0x1b: {  	s26 =	smax.u32 s21, $0x1;
	s0 =	simm.s32 $0x50;
	[dreg:$0xb] =	wrdreg s25  }
0x1c: {  	s7 =	simm.s32 $0x3;
	s8 =	sshrl.u32 s24, $0x3;
	[dreg:$0xe] =	wrdreg s26  }
0x1d: {  	s25 =	simm.s32 $0x117B0;
	s24 =	simm.s32 $0x112B0;
	s1 =	sadd.s32 s1, s8  }
0x1e: {  	v1 =	vimm.f32 $0.0e+00;
	v2 =	vimm.f32 $1.000000000e+00;
	s8 =	simm.s32 $0x4;
	[dreg:$0xc] =	wrdreg s1;
	s1 =	simm.s32 $0xF9B0  }
.LBB2_1:
0x1f: {  	s16 =	rddreg [dreg:$0x5]  }
0x20: {  	[tilespmem:s4], [sflag:$0x5] =	stream.linear.gather [hbm4b:s16+s4], $0x4E20, $0x38;
	[tilespmem:$0x1FAD0] =	vst v63  }
0x21: {  	_ =	swait.ge [sflag:s22], $0x4E20  }
0x22: {  	[sflag:s22] =	ssyncset.done $0x0  }
0x23: {  	s17 =	simm.s32 $0x4E20;
	s20 =	rddreg [dreg:$0x6];
	[sflag:s22] =	ssyncadd.s32 $0xFFFFB1E0  }
0x24: {  	[tilespmem:s17], [sflag:$0x5] =	stream.linear.gather [hbm4b:s20+s4], $0x4E20, $0x38;
	[tilespmem:$0x1FAD0] =	vst v63  }
0x25: {  	_ =	swait.ge [sflag:s22], $0x4E20  }
0x26: {  	[sflag:s22] =	ssyncset.done $0x0  }
0x27: {  	s26 =	simm.s32 $0x9C40;
	s21 =	rddreg [dreg:$0x7];
	[sflag:s22] =	ssyncadd.s32 $0xFFFFB1E0  }
0x28: {  	[tilespmem:s26], [sflag:$0x5] =	stream.linear.gather [hbm4b:s21+s4], $0x4E20, $0x38;
	[tilespmem:$0x1FAD0] =	vst v63  }
0x29: {  	_ =	swait.ge [sflag:s22], $0x4E20  }
0x2a: {  	[sflag:s22] =	ssyncset.done $0x0  }
0x2b: {  	s16 =	simm.s32 $0x0;
	s17 =	simm.s32 $0x100;
	[sflag:s22] =	ssyncadd.s32 $0xFFFFB1E0  }
.LBB2_2:
0x2c: {  	p0 =	sne.s32 s17, $0x7C00;
	[tilespmem:s16+$0x117E0] =	vst v1;
	s18 =	smov.u32 s17;
	s17 =	sadd.s32 $0x100, s17  }
.Ltmp0:
0x2d: {  	[tilespmem:s16+$0x117D0] =	vst v1;
	(pc) =	sbr.rel @p0 .LBB2_2-.Ltmp0, $3  }
0x2e: {  	[tilespmem:s16+$0x117B0] =	vst v1  }
0x2f: {  	[tilespmem:s16+$0x117C0] =	vst v1;
	_ =	sdelay $0x1  }
0x30: {  	s16 =	sshra.s32 s18, $0x2  }
0x31: {  	[tilespmem:s16+$0x117E0] =	vst v1  }
0x32: {  	[tilespmem:s16+$0x117D0] =	vst v1  }
0x33: {  	[tilespmem:s16+$0x117B0] =	vst v1  }
0x34: {  	[tilespmem:s16+$0x117C0] =	vst v1;
	s16 =	simm.s32 $0x40;
	s17 =	simm.s32 $0x0  }
.LBB2_4:
0x35: {  	p0 =	sne.s32 s16, $0x4F00;
	[tilespmem:s17+$0x136F0] =	vst v1;
	s17 =	smov.u32 s16;
	s16 =	sadd.s32 $0x40, s16  }
.Ltmp1:
0x36: {  	(pc) =	sbr.rel @p0 .LBB2_4-.Ltmp1, $2  }
0x37: {  	_ =	sdelay $0x2  }
0x38: {  	s17 =	sshra.s32 s17, $0x2  }
0x39: {  	[tilespmem:s17+$0x136F0] =	vst v1;
	s16 =	simm.s32 $0x40;
	s17 =	simm.s32 $0x0  }
.LBB2_6:
0x3a: {  	p0 =	sne.s32 s16, $0x13C0;
	[tilespmem:s17+$0x112B0] =	vst v2;
	s17 =	smov.u32 s16;
	s16 =	sadd.s32 $0x40, s16  }
.Ltmp2:
0x3b: {  	(pc) =	sbr.rel @p0 .LBB2_6-.Ltmp2, $2  }
0x3c: {  	_ =	sdelay $0x2  }
0x3d: {  	s17 =	sshra.s32 s17, $0x2  }
0x3e: {  	[tilespmem:s17+$0x112B0] =	vst v2  }
0x3f: {  	[spmem:s9] =	stream.linear.scatter [tilespmem:s25], [sflag:$0x5], $0x1F40, $0x38;
	[tilespmem:$0x1FAD0] =	vst v63  }
0x40: {  	_ =	swait.ge [sflag:s22], $0x1F40  }
0x41: {  	[sflag:s22] =	ssyncset.done $0x0  }
0x42: {  	[sflag:s22] =	ssyncadd.s32 $0xFFFFE0C0  }
0x43: {  	[spmem:s10] =	stream.linear.scatter [tilespmem:s25], [sflag:$0x5], $0x1F40, $0x38;
	[tilespmem:$0x1FAD0] =	vst v63  }
0x44: {  	_ =	swait.ge [sflag:s22], $0x1F40  }
0x45: {  	[sflag:s22] =	ssyncset.done $0x0  }
0x46: {  	[sflag:s22] =	ssyncadd.s32 $0xFFFFE0C0  }
0x47: {  	[spmem:s11] =	stream.linear.scatter [tilespmem:s25], [sflag:$0x5], $0x1F40, $0x38;
	[tilespmem:$0x1FAD0] =	vst v63  }
0x48: {  	_ =	swait.ge [sflag:s22], $0x1F40  }
0x49: {  	[sflag:s22] =	ssyncset.done $0x0  }
0x4a: {  	[sflag:s22] =	ssyncadd.s32 $0xFFFFE0C0  }
0x4b: {  	[spmem:s12] =	stream.linear.scatter [tilespmem:s25], [sflag:$0x5], $0x1F40, $0x38;
	[tilespmem:$0x1FAD0] =	vst v63  }
0x4c: {  	_ =	swait.ge [sflag:s22], $0x1F40  }
0x4d: {  	[sflag:s22] =	ssyncset.done $0x0  }
0x4e: {  	[sflag:s22] =	ssyncadd.s32 $0xFFFFE0C0  }
0x4f: {  	[spmem:s13] =	stream.linear.scatter [tilespmem:s25], [sflag:$0x5], $0x1F40, $0x38;
	[tilespmem:$0x1FAD0] =	vst v63  }
0x50: {  	_ =	swait.ge [sflag:s22], $0x1F40  }
0x51: {  	[sflag:s22] =	ssyncset.done $0x0  }
0x52: {  	[sflag:s22] =	ssyncadd.s32 $0xFFFFE0C0  }
0x53: {  	[spmem:s14] =	stream.linear.scatter [tilespmem:s19], [sflag:$0x5], $0x13D0, $0x38;
	[tilespmem:$0x1FAD0] =	vst v63  }
0x54: {  	_ =	swait.ge [sflag:s22], $0x13D0  }
0x55: {  	[sflag:s22] =	ssyncset.done $0x0  }
0x56: {  	[sflag:s22] =	ssyncadd.s32 $0xFFFFEC30  }
0x57: {  	s16 =	simm.s32 $0x0;
	s19 =	simm.s32 $0xEAB0;
	[bflag:$0x0] =	sbarrier.arrive $0xFFFF  }
0x58: {  	[tilespmem:s19], [sflag:$0x1] =	stream.indirect.gather [hbm4b:s5+s28], $0x20, s16, s28, $0xb8;
	[tilespmem:$0x1FAD0] =	vst v63  }
0x59: {  	s20 =	simm.s32 $0xEFB0  }
0x5a: {  	[tilespmem:s20], [sflag:$0x2] =	stream.indirect.gather [hbm4b:s5+s28], $0x20, s28, s28, $0xb8;
	[tilespmem:$0x1FAD0] =	vst v63  }
0x5b: {  	s21 =	simm.s32 $0x50  }
0x5c: {  	[tilespmem:s31], [sflag:$0x3] =	stream.indirect.gather [hbm4b:s5+s28], $0x20, s21, s28, $0xb8;
	[tilespmem:$0x1FAD0] =	vst v63  }
0x5d: {  	s26 =	simm.s32 $0x0;
	s20 =	simm.s32 $0x78  }
0x5e: {  	[tilespmem:s1], [sflag:$0x4] =	stream.indirect.gather [hbm4b:s5+s28], $0x20, s20, s28, $0xb8;
	[tilespmem:$0x1FAD0] =	vst v63  }
0x5f: {  	v3 =	vld [tilespmem:s26+$0x4E20];
	_ =	sdelay $0x4  }
0x60: {  	v4 =	vsub.s32 v3, v0;
	v3 =	vand.u32 $0x3F, v3  }
0x61: {  	vm0 =	vlt.u32 v4, $0x1388;
	v3 =	vadd.s32 $0x1388, v3  }
0x62: {  	v3 =	vsel vm0, v4, v3  }
0x63: {  	[tilespmem:$0xEA60] =	vst v3  }
0x64: {  	v3 =	vld [tilespmem:s26+$0x4E30];
	_ =	sdelay $0x4  }
0x65: {  	v55 =	vsub.s32 v3, v0;
	v3 =	vand.u32 $0x3F, v3  }
0x66: {  	vm7 =	vlt.u32 v55, $0x1388;
	v3 =	vadd.s32 $0x1388, v3  }
0x67: {  	v3 =	vsel vm7, v55, v3  }
0x68: {  	[tilespmem:$0xEA70] =	vst v3  }
0x69: {  	v3 =	vld [tilespmem:s26+$0x4E40];
	_ =	sdelay $0x4  }
0x6a: {  	v56 =	vsub.s32 v3, v0;
	v3 =	vand.u32 $0x3F, v3  }
0x6b: {  	vm8 =	vlt.u32 v56, $0x1388;
	v3 =	vadd.s32 $0x1388, v3  }
0x6c: {  	v3 =	vsel vm8, v56, v3  }
0x6d: {  	[tilespmem:$0xEA80] =	vst v3  }
0x6e: {  	v3 =	vld [tilespmem:s26+$0x4E50];
	_ =	sdelay $0x4  }
0x6f: {  	v57 =	vsub.s32 v3, v0;
	v3 =	vand.u32 $0x3F, v3  }
0x70: {  	vm9 =	vlt.u32 v57, $0x1388;
	v3 =	vadd.s32 $0x1388, v3  }
0x71: {  	v3 =	vsel vm9, v57, v3  }
0x72: {  	[tilespmem:$0xEA90] =	vst v3  }
0x73: {  	v3 =	vld [tilespmem:s26+$0x4E60];
	_ =	sdelay $0x4  }
0x74: {  	v58 =	vsub.s32 v3, v0;
	v3 =	vand.u32 $0x3F, v3  }
0x75: {  	vm10 =	vlt.u32 v58, $0x1388;
	v3 =	vadd.s32 $0x1388, v3  }
0x76: {  	v3 =	vsel vm10, v58, v3  }
0x77: {  	[tilespmem:$0xEAA0] =	vst v3  }
0x78: {  	[spmem:s3] =	stream.indirect.scatter.add.f32 [tilespmem:s24], [sflag:$0x5], $0x10, s23, s0, $0xb8;
	[tilespmem:$0x1FAD0] =	vst v63  }
0x79: {  	_ =	swait.ge [sflag:s22], $0x500  }
0x7a: {  	[sflag:s22] =	ssyncset.done $0x0  }
0x7b: {  	[sflag:s22] =	ssyncadd.s32 $0xFFFFFB00  }
0x7c: {  	_ =	swait.ge [sflag:s29], $0x500  }
0x7d: {  	[sflag:s29] =	ssyncset.done $0x0  }
0x7e: {  	[sflag:s29] =	ssyncadd.s32 $0xFFFFFB00  }
0x7f: {  	_ =	swait.ge [sflag:s30], $0x500  }
0x80: {  	[sflag:s30] =	ssyncset.done $0x0  }
0x81: {  	s21 =	simm.s32 $0x4E20;
	[sflag:s30] =	ssyncadd.s32 $0xFFFFFB00  }
0x82: {  	[spmem:s2] =	stream.indirect.scatter.add.f32 [tilespmem:s6], [sflag:$0x5], $0x40, s21, s0, $0xb8;
	[tilespmem:$0x1FAD0] =	vst v63  }
0x83: {  	p0 =	por $0x0, $0x0;
	_ =	swait.ge [sflag:s22], $0x1400  }
0x84: {  	s17 =	simm.s32 @!p0 $0xEAB0;
	[sflag:s22] =	ssyncset.done $0x0  }
0x85: {  	s18 =	simm.s32 @!p0 $0xA0;
	s19 =	simm.s32 @!p0 $0x28;
	[sflag:s22] =	ssyncadd.s32 $0xFFFFEC00  }
0x86: {  	[tilespmem:s17], [sflag:$0x1] =	stream.indirect.gather @!p0 [hbm4b:s5+s19], $0x20, s18, s19, $0xb8;
	[tilespmem:$0x1FAD0] =	vst v63  }
0x87: {  	s17 =	simm.s32 @!p0 $0xC8;
	s18 =	simm.s32 @!p0 $0xEFB0  }
0x88: {  	[tilespmem:s18], [sflag:$0x2] =	stream.indirect.gather @!p0 [hbm4b:s5+s19], $0x20, s17, s19, $0xb8;
	[tilespmem:$0x1FAD0] =	vst v63  }
0x89: {  	v3 =	vld [tilespmem:s26+$0x4E70];
	_ =	sdelay $0x4  }
0x8a: {  	v59 =	vsub.s32 v3, v0;
	v3 =	vand.u32 $0x3F, v3  }
0x8b: {  	vm11 =	vlt.u32 v59, $0x1388;
	v3 =	vadd.s32 $0x1388, v3  }
0x8c: {  	v3 =	vsel vm11, v59, v3  }
0x8d: {  	[tilespmem:$0xEA60] =	vst v3  }
0x8e: {  	v3 =	vld [tilespmem:s26+$0x4E80];
	_ =	sdelay $0x4  }
0x8f: {  	v60 =	vsub.s32 v3, v0;
	v3 =	vand.u32 $0x3F, v3  }
0x90: {  	vm12 =	vlt.u32 v60, $0x1388;
	v3 =	vadd.s32 $0x1388, v3  }
0x91: {  	v3 =	vsel vm12, v60, v3  }
0x92: {  	[tilespmem:$0xEA70] =	vst v3  }
0x93: {  	v3 =	vld [tilespmem:s26+$0x4E90];
	_ =	sdelay $0x4  }
0x94: {  	v61 =	vsub.s32 v3, v0;
	v3 =	vand.u32 $0x3F, v3  }
0x95: {  	vm13 =	vlt.u32 v61, $0x1388;
	v3 =	vadd.s32 $0x1388, v3  }
0x96: {  	v3 =	vsel vm13, v61, v3  }
0x97: {  	[tilespmem:$0xEA80] =	vst v3  }
0x98: {  	v3 =	vld [tilespmem:s26+$0x4EA0];
	_ =	sdelay $0x4  }
0x99: {  	v62 =	vsub.s32 v3, v0;
	v3 =	vand.u32 $0x3F, v3  }
0x9a: {  	vm14 =	vlt.u32 v62, $0x1388;
	v3 =	vadd.s32 $0x1388, v3  }
0x9b: {  	v3 =	vsel vm14, v62, v3  }
0x9c: {  	[tilespmem:$0xEA90] =	vst v3  }
0x9d: {  	v3 =	vld [tilespmem:s26+$0x4EB0];
	_ =	sdelay $0x4  }
0x9e: {  	v63 =	vsub.s32 v3, v0;
	v3 =	vand.u32 $0x3F, v3  }
0x9f: {  	vm15 =	vlt.u32 v63, $0x1388;
	v3 =	vadd.s32 $0x1388, v3  }
0xa0: {  	v3 =	vsel vm15, v63, v3  }
0xa1: {  	[tilespmem:$0xEAA0] =	vst v3  }
0xa2: {  	[spmem:s3] =	stream.indirect.scatter.add.f32 [tilespmem:s24], [sflag:$0x5], $0x10, s23, s0, $0xb8;
	[tilespmem:$0x1FAD0] =	vst v63  }
0xa3: {  	_ =	swait.ge [sflag:s22], $0x500  }
0xa4: {  	[sflag:s22] =	ssyncset.done $0x0  }
0xa5: {  	[sflag:s22] =	ssyncadd.s32 $0xFFFFFB00  }
0xa6: {  	_ =	swait.ge [sflag:s7], $0x500  }
0xa7: {  	[sflag:s7] =	ssyncset.done $0x0  }
0xa8: {  	[sflag:s7] =	ssyncadd.s32 $0xFFFFFB00  }
0xa9: {  	_ =	swait.ge [sflag:s8], $0x500  }
0xaa: {  	[sflag:s8] =	ssyncset.done $0x0  }
0xab: {  	s26 =	simm.s32 $0x4E70;
	[sflag:s8] =	ssyncadd.s32 $0xFFFFFB00  }
0xac: {  	[spmem:s2] =	stream.indirect.scatter.add.f32 [tilespmem:s6], [sflag:$0x5], $0x40, s26, s0, $0xb8;
	[tilespmem:$0x1FAD0] =	vst v63  }
0xad: {  	s16 =	simm.s32 $0xA0;
	_ =	swait.ge [sflag:s22], $0x1400  }
0xae: {  	s17 =	simm.s32 $0x280;
	s18 =	simm.s32 $0x500;
	[sflag:s22] =	ssyncset.done $0x0  }
.LBB2_8:
0xaf: {  	s20 =	sadd.s32 $0x50, s16  }
0xb0: {  	[sflag:s22] =	ssyncadd.s32 $0xFFFFEC00;
	s19 =	smov.u32 s18;
	s18 =	sadd.s32 $0x280, s18  }
0xb1: {  	[tilespmem:s31], [sflag:$0x3] =	stream.indirect.gather [hbm4b:s5+s28], $0x20, s20, s28, $0xb8;
	[tilespmem:$0x1FAD0] =	vst v63  }
0xb2: {  	p0 =	sne.s32 s18, $0x13880;
	s20 =	sadd.s32 $0x78, s16  }
0xb3: {  	[tilespmem:s1], [sflag:$0x4] =	stream.indirect.gather [hbm4b:s5+s28], $0x20, s20, s28, $0xb8;
	[tilespmem:$0x1FAD0] =	vst v63  }
0xb4: {  	v3 =	vld [tilespmem:s16+$0x4E20];
	_ =	sdelay $0x4  }
0xb5: {  	v4 =	vsub.s32 v3, v0;
	v3 =	vand.u32 $0x3F, v3  }
0xb6: {  	vm0 =	vlt.u32 v4, $0x1388;
	v3 =	vadd.s32 $0x1388, v3  }
0xb7: {  	v3 =	vsel vm0, v4, v3  }
0xb8: {  	[tilespmem:$0xEA60] =	vst v3  }
0xb9: {  	v3 =	vld [tilespmem:s16+$0x4E30];
	_ =	sdelay $0x4  }
0xba: {  	v4 =	vsub.s32 v3, v0;
	v3 =	vand.u32 $0x3F, v3  }
0xbb: {  	vm0 =	vlt.u32 v4, $0x1388;
	v3 =	vadd.s32 $0x1388, v3  }
0xbc: {  	v3 =	vsel vm0, v4, v3  }
0xbd: {  	[tilespmem:$0xEA70] =	vst v3  }
0xbe: {  	v3 =	vld [tilespmem:s16+$0x4E40];
	_ =	sdelay $0x4  }
0xbf: {  	v4 =	vsub.s32 v3, v0;
	v3 =	vand.u32 $0x3F, v3  }
0xc0: {  	vm0 =	vlt.u32 v4, $0x1388;
	v3 =	vadd.s32 $0x1388, v3  }
0xc1: {  	v3 =	vsel vm0, v4, v3  }
0xc2: {  	[tilespmem:$0xEA80] =	vst v3  }
0xc3: {  	v3 =	vld [tilespmem:s16+$0x4E50];
	_ =	sdelay $0x4  }
0xc4: {  	v4 =	vsub.s32 v3, v0;
	v3 =	vand.u32 $0x3F, v3  }
0xc5: {  	vm0 =	vlt.u32 v4, $0x1388;
	v3 =	vadd.s32 $0x1388, v3  }
0xc6: {  	v3 =	vsel vm0, v4, v3  }
0xc7: {  	[tilespmem:$0xEA90] =	vst v3  }
0xc8: {  	v3 =	vld [tilespmem:s16+$0x4E60];
	_ =	sdelay $0x4  }
0xc9: {  	v4 =	vsub.s32 v3, v0;
	v3 =	vand.u32 $0x3F, v3  }
0xca: {  	vm0 =	vlt.u32 v4, $0x1388;
	v3 =	vadd.s32 $0x1388, v3  }
0xcb: {  	v3 =	vsel vm0, v4, v3  }
0xcc: {  	[tilespmem:$0xEAA0] =	vst v3  }
0xcd: {  	[spmem:s3] =	stream.indirect.scatter.add.f32 [tilespmem:s24], [sflag:$0x5], $0x10, s23, s0, $0xb8;
	[tilespmem:$0x1FAD0] =	vst v63  }
0xce: {  	_ =	swait.ge [sflag:s22], $0x500  }
0xcf: {  	[sflag:s22] =	ssyncset.done $0x0  }
0xd0: {  	[sflag:s22] =	ssyncadd.s32 $0xFFFFFB00  }
0xd1: {  	_ =	swait.ge [sflag:s29], $0x500  }
0xd2: {  	[sflag:s29] =	ssyncset.done $0x0  }
0xd3: {  	[sflag:s29] =	ssyncadd.s32 $0xFFFFFB00  }
0xd4: {  	_ =	swait.ge [sflag:s30], $0x500  }
0xd5: {  	[sflag:s30] =	ssyncset.done $0x0  }
0xd6: {  	s20 =	sadd.s32 $0x4E20, s16;
	[sflag:s30] =	ssyncadd.s32 $0xFFFFFB00  }
0xd7: {  	[spmem:s2] =	stream.indirect.scatter.add.f32 [tilespmem:s6], [sflag:$0x5], $0x40, s20, s0, $0xb8;
	[tilespmem:$0x1FAD0] =	vst v63  }
0xd8: {  	p1 =	seq.s32 s17, $0x13600;
	_ =	swait.ge [sflag:s22], $0x1400  }
0xd9: {  	s17 =	sshra.s32 @!p1 s17, $0x2;
	s20 =	simm.s32 @!p1 $0xEAB0;
	[sflag:s22] =	ssyncset.done $0x0  }
0xda: {  	s26 =	simm.s32 @!p1 $0x28;
	s21 =	sadd.s32 @!p1 $0xA0, s17;
	[sflag:s22] =	ssyncadd.s32 $0xFFFFEC00  }
0xdb: {  	[tilespmem:s20], [sflag:$0x1] =	stream.indirect.gather @!p1 [hbm4b:s5+s26], $0x20, s21, s26, $0xb8;
	[tilespmem:$0x1FAD0] =	vst v63  }
0xdc: {  	s20 =	sadd.s32 @!p1 $0xC8, s17;
	s21 =	simm.s32 @!p1 $0xEFB0;
	s17 =	smov.u32 s19  }
0xdd: {  	[tilespmem:s21], [sflag:$0x2] =	stream.indirect.gather @!p1 [hbm4b:s5+s26], $0x20, s20, s26, $0xb8;
	[tilespmem:$0x1FAD0] =	vst v63  }
0xde: {  	v3 =	vld [tilespmem:s16+$0x4E70];
	_ =	sdelay $0x4  }
0xdf: {  	v4 =	vsub.s32 v3, v0;
	v3 =	vand.u32 $0x3F, v3  }
0xe0: {  	vm0 =	vlt.u32 v4, $0x1388;
	v3 =	vadd.s32 $0x1388, v3  }
0xe1: {  	v3 =	vsel vm0, v4, v3  }
0xe2: {  	[tilespmem:$0xEA60] =	vst v3  }
0xe3: {  	v3 =	vld [tilespmem:s16+$0x4E80];
	_ =	sdelay $0x4  }
0xe4: {  	v4 =	vsub.s32 v3, v0;
	v3 =	vand.u32 $0x3F, v3  }
0xe5: {  	vm0 =	vlt.u32 v4, $0x1388;
	v3 =	vadd.s32 $0x1388, v3  }
0xe6: {  	v3 =	vsel vm0, v4, v3  }
0xe7: {  	[tilespmem:$0xEA70] =	vst v3  }
0xe8: {  	v3 =	vld [tilespmem:s16+$0x4E90];
	_ =	sdelay $0x4  }
0xe9: {  	v4 =	vsub.s32 v3, v0;
	v3 =	vand.u32 $0x3F, v3  }
0xea: {  	vm0 =	vlt.u32 v4, $0x1388;
	v3 =	vadd.s32 $0x1388, v3  }
0xeb: {  	v3 =	vsel vm0, v4, v3  }
0xec: {  	[tilespmem:$0xEA80] =	vst v3  }
0xed: {  	v3 =	vld [tilespmem:s16+$0x4EA0];
	_ =	sdelay $0x4  }
0xee: {  	v4 =	vsub.s32 v3, v0;
	v3 =	vand.u32 $0x3F, v3  }
0xef: {  	vm0 =	vlt.u32 v4, $0x1388;
	v3 =	vadd.s32 $0x1388, v3  }
0xf0: {  	v3 =	vsel vm0, v4, v3  }
0xf1: {  	[tilespmem:$0xEA90] =	vst v3  }
0xf2: {  	v3 =	vld [tilespmem:s16+$0x4EB0];
	_ =	sdelay $0x4  }
0xf3: {  	v4 =	vsub.s32 v3, v0;
	v3 =	vand.u32 $0x3F, v3  }
0xf4: {  	vm0 =	vlt.u32 v4, $0x1388;
	v3 =	vadd.s32 $0x1388, v3  }
0xf5: {  	v3 =	vsel vm0, v4, v3  }
0xf6: {  	[tilespmem:$0xEAA0] =	vst v3  }
0xf7: {  	[spmem:s3] =	stream.indirect.scatter.add.f32 [tilespmem:s24], [sflag:$0x5], $0x10, s23, s0, $0xb8;
	[tilespmem:$0x1FAD0] =	vst v63  }
0xf8: {  	_ =	swait.ge [sflag:s22], $0x500  }
0xf9: {  	[sflag:s22] =	ssyncset.done $0x0  }
0xfa: {  	[sflag:s22] =	ssyncadd.s32 $0xFFFFFB00  }
0xfb: {  	_ =	swait.ge [sflag:s7], $0x500  }
0xfc: {  	[sflag:s7] =	ssyncset.done $0x0  }
0xfd: {  	[sflag:s7] =	ssyncadd.s32 $0xFFFFFB00  }
0xfe: {  	_ =	swait.ge [sflag:s8], $0x500  }
.Ltmp3:
0xff: {  	[sflag:s8] =	ssyncset.done $0x0;
	(pc) =	sbr.rel @p0 .LBB2_8-.Ltmp3, $4  }
0x100: {  	s16 =	sadd.s32 $0x4E70, s16;
	[sflag:s8] =	ssyncadd.s32 $0xFFFFFB00  }
0x101: {  	[spmem:s2] =	stream.indirect.scatter.add.f32 [tilespmem:s6], [sflag:$0x5], $0x40, s16, s0, $0xb8;
	[tilespmem:$0x1FAD0] =	vst v63  }
0x102: {  	_ =	swait.ge [sflag:s22], $0x1400  }
0x103: {  	s16 =	sshra.s32 s17, $0x2;
	[sflag:s22] =	ssyncset.done $0x0  }
0x104: {  	s18 =	sadd.s32 $0x50, s16;
	[sflag:s22] =	ssyncadd.s32 $0xFFFFEC00  }
0x105: {  	[tilespmem:s31], [sflag:$0x3] =	stream.indirect.gather [hbm4b:s5+s28], $0x20, s18, s28, $0xb8;
	[tilespmem:$0x1FAD0] =	vst v63  }
0x106: {  	s19 =	sadd.s32 $0x78, s16  }
0x107: {  	[tilespmem:s1], [sflag:$0x4] =	stream.indirect.gather [hbm4b:s5+s28], $0x20, s19, s28, $0xb8;
	[tilespmem:$0x1FAD0] =	vst v63  }
0x108: {  	v3 =	vld [tilespmem:s16+$0x4E20];
	_ =	sdelay $0x4  }
0x109: {  	v4 =	vsub.s32 v3, v0;
	v3 =	vand.u32 $0x3F, v3  }
0x10a: {  	vm0 =	vlt.u32 v4, $0x1388;
	v3 =	vadd.s32 $0x1388, v3  }
0x10b: {  	v3 =	vsel vm0, v4, v3  }
0x10c: {  	[tilespmem:$0xEA60] =	vst v3  }
0x10d: {  	v3 =	vld [tilespmem:s16+$0x4E30];
	_ =	sdelay $0x4  }
0x10e: {  	v55 =	vsub.s32 v3, v0;
	v3 =	vand.u32 $0x3F, v3  }
0x10f: {  	vm7 =	vlt.u32 v55, $0x1388;
	v3 =	vadd.s32 $0x1388, v3  }
0x110: {  	v3 =	vsel vm7, v55, v3  }
0x111: {  	[tilespmem:$0xEA70] =	vst v3  }
0x112: {  	v3 =	vld [tilespmem:s16+$0x4E40];
	_ =	sdelay $0x4  }
0x113: {  	v56 =	vsub.s32 v3, v0;
	v3 =	vand.u32 $0x3F, v3  }
0x114: {  	vm8 =	vlt.u32 v56, $0x1388;
	v3 =	vadd.s32 $0x1388, v3  }
0x115: {  	v3 =	vsel vm8, v56, v3  }
0x116: {  	[tilespmem:$0xEA80] =	vst v3  }
0x117: {  	v3 =	vld [tilespmem:s16+$0x4E50];
	_ =	sdelay $0x4  }
0x118: {  	v57 =	vsub.s32 v3, v0;
	v3 =	vand.u32 $0x3F, v3  }
0x119: {  	vm9 =	vlt.u32 v57, $0x1388;
	v3 =	vadd.s32 $0x1388, v3  }
0x11a: {  	v3 =	vsel vm9, v57, v3  }
0x11b: {  	[tilespmem:$0xEA90] =	vst v3  }
0x11c: {  	v3 =	vld [tilespmem:s16+$0x4E60];
	_ =	sdelay $0x4  }
0x11d: {  	v58 =	vsub.s32 v3, v0;
	v3 =	vand.u32 $0x3F, v3  }
0x11e: {  	vm10 =	vlt.u32 v58, $0x1388;
	v3 =	vadd.s32 $0x1388, v3  }
0x11f: {  	v3 =	vsel vm10, v58, v3  }
0x120: {  	[tilespmem:$0xEAA0] =	vst v3  }
0x121: {  	[spmem:s3] =	stream.indirect.scatter.add.f32 [tilespmem:s24], [sflag:$0x5], $0x10, s23, s0, $0xb8;
	[tilespmem:$0x1FAD0] =	vst v63  }
0x122: {  	_ =	swait.ge [sflag:s22], $0x500  }
0x123: {  	[sflag:s22] =	ssyncset.done $0x0  }
0x124: {  	[sflag:s22] =	ssyncadd.s32 $0xFFFFFB00  }
0x125: {  	_ =	swait.ge [sflag:s29], $0x500  }
0x126: {  	[sflag:s29] =	ssyncset.done $0x0  }
0x127: {  	[sflag:s29] =	ssyncadd.s32 $0xFFFFFB00  }
0x128: {  	_ =	swait.ge [sflag:s30], $0x500  }
0x129: {  	[sflag:s30] =	ssyncset.done $0x0  }
0x12a: {  	s20 =	sadd.s32 $0x4E20, s16;
	[sflag:s30] =	ssyncadd.s32 $0xFFFFFB00  }
0x12b: {  	[spmem:s2] =	stream.indirect.scatter.add.f32 [tilespmem:s6], [sflag:$0x5], $0x40, s20, s0, $0xb8;
	[tilespmem:$0x1FAD0] =	vst v63  }
0x12c: {  	p0 =	seq.s32 s17, $0x13600;
	_ =	swait.ge [sflag:s22], $0x1400  }
0x12d: {  	s17 =	sshra.s32 @!p0 s17, $0x2;
	s18 =	simm.s32 @!p0 $0xEAB0;
	[sflag:s22] =	ssyncset.done $0x0  }
0x12e: {  	s19 =	sadd.s32 @!p0 $0xA0, s17;
	s20 =	simm.s32 @!p0 $0x28;
	[sflag:s22] =	ssyncadd.s32 $0xFFFFEC00  }
0x12f: {  	[tilespmem:s18], [sflag:$0x1] =	stream.indirect.gather @!p0 [hbm4b:s5+s20], $0x20, s19, s20, $0xb8;
	[tilespmem:$0x1FAD0] =	vst v63  }
0x130: {  	s17 =	sadd.s32 @!p0 $0xC8, s17;
	s18 =	simm.s32 @!p0 $0xEFB0  }
0x131: {  	[tilespmem:s18], [sflag:$0x2] =	stream.indirect.gather @!p0 [hbm4b:s5+s20], $0x20, s17, s20, $0xb8;
	[tilespmem:$0x1FAD0] =	vst v63  }
0x132: {  	v3 =	vld [tilespmem:s16+$0x4E70];
	_ =	sdelay $0x4  }
0x133: {  	v59 =	vsub.s32 v3, v0;
	v3 =	vand.u32 $0x3F, v3  }
0x134: {  	vm11 =	vlt.u32 v59, $0x1388;
	v3 =	vadd.s32 $0x1388, v3  }
0x135: {  	v3 =	vsel vm11, v59, v3  }
0x136: {  	[tilespmem:$0xEA60] =	vst v3  }
0x137: {  	v3 =	vld [tilespmem:s16+$0x4E80];
	_ =	sdelay $0x4  }
0x138: {  	v60 =	vsub.s32 v3, v0;
	v3 =	vand.u32 $0x3F, v3  }
0x139: {  	vm12 =	vlt.u32 v60, $0x1388;
	v3 =	vadd.s32 $0x1388, v3  }
0x13a: {  	v3 =	vsel vm12, v60, v3  }
0x13b: {  	[tilespmem:$0xEA70] =	vst v3  }
0x13c: {  	v3 =	vld [tilespmem:s16+$0x4E90];
	_ =	sdelay $0x4  }
0x13d: {  	v61 =	vsub.s32 v3, v0;
	v3 =	vand.u32 $0x3F, v3  }
0x13e: {  	vm13 =	vlt.u32 v61, $0x1388;
	v3 =	vadd.s32 $0x1388, v3  }
0x13f: {  	v3 =	vsel vm13, v61, v3  }
0x140: {  	[tilespmem:$0xEA80] =	vst v3  }
0x141: {  	v3 =	vld [tilespmem:s16+$0x4EA0];
	_ =	sdelay $0x4  }
0x142: {  	v62 =	vsub.s32 v3, v0;
	v3 =	vand.u32 $0x3F, v3  }
0x143: {  	vm14 =	vlt.u32 v62, $0x1388;
	v3 =	vadd.s32 $0x1388, v3  }
0x144: {  	v3 =	vsel vm14, v62, v3  }
0x145: {  	[tilespmem:$0xEA90] =	vst v3  }
0x146: {  	v3 =	vld [tilespmem:s16+$0x4EB0];
	_ =	sdelay $0x4  }
0x147: {  	v63 =	vsub.s32 v3, v0;
	v3 =	vand.u32 $0x3F, v3  }
0x148: {  	vm15 =	vlt.u32 v63, $0x1388;
	v3 =	vadd.s32 $0x1388, v3  }
0x149: {  	v3 =	vsel vm15, v63, v3  }
0x14a: {  	[tilespmem:$0xEAA0] =	vst v3  }
0x14b: {  	[spmem:s3] =	stream.indirect.scatter.add.f32 [tilespmem:s24], [sflag:$0x5], $0x10, s23, s0, $0xb8;
	[tilespmem:$0x1FAD0] =	vst v63  }
0x14c: {  	_ =	swait.ge [sflag:s22], $0x500  }
0x14d: {  	[sflag:s22] =	ssyncset.done $0x0  }
0x14e: {  	[sflag:s22] =	ssyncadd.s32 $0xFFFFFB00  }
0x14f: {  	_ =	swait.ge [sflag:s7], $0x500  }
0x150: {  	[sflag:s7] =	ssyncset.done $0x0  }
0x151: {  	[sflag:s7] =	ssyncadd.s32 $0xFFFFFB00  }
0x152: {  	_ =	swait.ge [sflag:s8], $0x500  }
0x153: {  	[sflag:s8] =	ssyncset.done $0x0  }
0x154: {  	s21 =	sadd.s32 $0x4E70, s16;
	[sflag:s8] =	ssyncadd.s32 $0xFFFFFB00  }
0x155: {  	[spmem:s2] =	stream.indirect.scatter.add.f32 [tilespmem:s6], [sflag:$0x5], $0x40, s21, s0, $0xb8;
	[tilespmem:$0x1FAD0] =	vst v63  }
0x156: {  	_ =	swait.ge [sflag:s22], $0x1400  }
0x157: {  	[sflag:s22] =	ssyncset.done $0x0  }
0x158: {  	[sflag:s22] =	ssyncadd.s32 $0xFFFFEC00  }
0x159: {  	[bflag:$0x0] =	sbarrier.arrive $0xFFFF  }
0x15a: {  	[tilespmem:s25], [sflag:$0x5] =	stream.linear.gather [spmem:s9], $0x1F40, $0x38;
	[tilespmem:$0x1FAD0] =	vst v63  }
0x15b: {  	_ =	swait.ge [sflag:s22], $0x1F40  }
0x15c: {  	[sflag:s22] =	ssyncset.done $0x0  }
0x15d: {  	s26 =	rddreg [dreg:$0x8];
	[sflag:s22] =	ssyncadd.s32 $0xFFFFE0C0  }
0x15e: {  	[hbm4b:s26+s4] =	stream.linear.scatter [tilespmem:s25], [sflag:$0x5], $0x1F40, $0x38;
	[tilespmem:$0x1FAD0] =	vst v63  }
0x15f: {  	_ =	swait.ge [sflag:s22], $0x1F40  }
0x160: {  	[sflag:s22] =	ssyncset.done $0x0  }
0x161: {  	[sflag:s22] =	ssyncadd.s32 $0xFFFFE0C0  }
0x162: {  	[tilespmem:s25], [sflag:$0x5] =	stream.linear.gather [spmem:s10], $0x1F40, $0x38;
	[tilespmem:$0x1FAD0] =	vst v63  }
0x163: {  	_ =	swait.ge [sflag:s22], $0x1F40  }
0x164: {  	[sflag:s22] =	ssyncset.done $0x0  }
0x165: {  	s17 =	rddreg [dreg:$0x9];
	[sflag:s22] =	ssyncadd.s32 $0xFFFFE0C0  }
0x166: {  	[hbm4b:s17+s4] =	stream.linear.scatter [tilespmem:s25], [sflag:$0x5], $0x1F40, $0x38;
	[tilespmem:$0x1FAD0] =	vst v63  }
0x167: {  	_ =	swait.ge [sflag:s22], $0x1F40  }
0x168: {  	[sflag:s22] =	ssyncset.done $0x0  }
0x169: {  	[sflag:s22] =	ssyncadd.s32 $0xFFFFE0C0  }
0x16a: {  	[tilespmem:s25], [sflag:$0x5] =	stream.linear.gather [spmem:s11], $0x1F40, $0x38;
	[tilespmem:$0x1FAD0] =	vst v63  }
0x16b: {  	_ =	swait.ge [sflag:s22], $0x1F40  }
0x16c: {  	[sflag:s22] =	ssyncset.done $0x0  }
0x16d: {  	s18 =	rddreg [dreg:$0xa];
	[sflag:s22] =	ssyncadd.s32 $0xFFFFE0C0  }
0x16e: {  	[hbm4b:s18+s4] =	stream.linear.scatter [tilespmem:s25], [sflag:$0x5], $0x1F40, $0x38;
	[tilespmem:$0x1FAD0] =	vst v63  }
0x16f: {  	_ =	swait.ge [sflag:s22], $0x1F40  }
0x170: {  	[sflag:s22] =	ssyncset.done $0x0  }
0x171: {  	[sflag:s22] =	ssyncadd.s32 $0xFFFFE0C0  }
0x172: {  	[tilespmem:s25], [sflag:$0x5] =	stream.linear.gather [spmem:s12], $0x1F40, $0x38;
	[tilespmem:$0x1FAD0] =	vst v63  }
0x173: {  	_ =	swait.ge [sflag:s22], $0x1F40  }
0x174: {  	[sflag:s22] =	ssyncset.done $0x0  }
0x175: {  	s19 =	rddreg [dreg:$0xb];
	[sflag:s22] =	ssyncadd.s32 $0xFFFFE0C0  }
0x176: {  	[hbm4b:s19+s4] =	stream.linear.scatter [tilespmem:s25], [sflag:$0x5], $0x1F40, $0x38;
	[tilespmem:$0x1FAD0] =	vst v63  }
0x177: {  	_ =	swait.ge [sflag:s22], $0x1F40  }
0x178: {  	[sflag:s22] =	ssyncset.done $0x0  }
0x179: {  	[sflag:s22] =	ssyncadd.s32 $0xFFFFE0C0  }
0x17a: {  	[tilespmem:s25], [sflag:$0x5] =	stream.linear.gather [spmem:s13], $0x1F40, $0x38;
	[tilespmem:$0x1FAD0] =	vst v63  }
0x17b: {  	_ =	swait.ge [sflag:s22], $0x1F40  }
0x17c: {  	[sflag:s22] =	ssyncset.done $0x0  }
0x17d: {  	s20 =	rddreg [dreg:$0xc];
	[sflag:s22] =	ssyncadd.s32 $0xFFFFE0C0  }
0x17e: {  	[hbm4b:s20+s4] =	stream.linear.scatter [tilespmem:s25], [sflag:$0x5], $0x1F40, $0x38;
	[tilespmem:$0x1FAD0] =	vst v63  }
0x17f: {  	_ =	swait.ge [sflag:s22], $0x1F40  }
0x180: {  	[sflag:s22] =	ssyncset.done $0x0  }
0x181: {  	s19 =	simm.s32 $0x136F0;
	[sflag:s22] =	ssyncadd.s32 $0xFFFFE0C0  }
0x182: {  	[tilespmem:s19], [sflag:$0x5] =	stream.linear.gather [spmem:s14], $0x13D0, $0x38;
	[tilespmem:$0x1FAD0] =	vst v63  }
0x183: {  	_ =	swait.ge [sflag:s22], $0x13D0  }
0x184: {  	[sflag:s22] =	ssyncset.done $0x0  }
0x185: {  	s21 =	rddreg [dreg:$0xd];
	[sflag:s22] =	ssyncadd.s32 $0xFFFFEC30  }
0x186: {  	[hbm4b:s21+s4] =	stream.linear.scatter [tilespmem:s19], [sflag:$0x5], $0x13D0, $0x38;
	[tilespmem:$0x1FAD0] =	vst v63  }
0x187: {  	_ =	swait.ge [sflag:s22], $0x13D0  }
0x188: {  	s15 =	sadd.s32 $0x1, s15;
	s26 =	rddreg [dreg:$0xe]  }
0x189: {  	p0 =	sne.s32 s15, s26  }
.Ltmp4:
0x18a: {  	_ = 	snop;
	(pc) =	sbr.rel @p0 .LBB2_1-.Ltmp4, $3  }
0x18b: {  	_ =	sdelay $0x1  }
0x18c: {  	[sflag:s22] =	ssyncset.done $0x0  }
0x18d: {  	[sflag:s22] =	ssyncadd.s32 $0xFFFFEC30  }
0x18e: {  	_ =	sfence.sel $0x180000  }
0x18f: {  	[bflag:$0x0] =	sbarrier.arrive $0xFFFF  }
0x190: {  	_ =	strace $0x90000047  }
0x191: {  	s0 =	stileid.u32;
	[bflag:$0x2] =	sbarrier.arrive $0xFFFF  }
0x192: {  	p0 =	sne.s32 s0, $0x0;
	s0 =	rddreg [dreg:$0x4]  }
0x193: {  	s0 =	sadd.s32 @!p0 $0x100000, s0  }
0x194: {  	[sflag:s0] =	ssyncadd.tile.s32 @!p0 $0x1;
	_ =	shalt  }
.Lfunc_end2:
_tile_overlayer_lowered:
.L_overlay_start_2:
0x195: {  	(tag) =	ssettag $0x2  }
0x196: {  	s0 =	rddreg [dreg:$0x0];
	s2 =	stileid.u32  }
0x197: {  	s1 =	rddreg [dreg:$0x1];
	p0 =	sne.s32 s2, $0x0  }
0x198: {  	s3 =	rddreg [dreg:$0x2];
	[bflag:$0x3] =	sbarrier.arrive $0xFFFF;
	s2 =	simm.s32 @!p0 $0x1C05  }
0x199: {  	[timem:s3], [sflag:s2] =	dma.local @!p0 [hbm:s0], s1  }
0x19a: {  	s0 =	simm.s32 @!p0 $0x5  }
0x19b: {  	_ =	swait.ge @!p0 [sflag:s0], s1  }
0x19c: {  	s1 =	ssub.s32 @!p0 $0x0, s1;
	[sflag:s0] =	ssyncset.done @!p0 $0x0  }
0x19d: {  	[sflag:s0] =	ssyncadd.s32 @!p0 s1  }
0x19e: {  	[bflag:$0x3] =	sbarrier.arrive $0xFFFF  }
0x19f: {  	_ =	shalt  }

</sc_bundles>
